<compile_context>
chip_gen: v7x
topology: tpu7x:2x2x1
jax: 0.10.2.dev20260603
libtpu: 0.0.44.dev20260713+nightly
codegen_flags: <defaults>
</compile_context>

<pallas_src>
import functools
import math

import jax
import jax.numpy as jnp
from jax import lax
from jax.experimental import pallas as pl
from jax.experimental.pallas import tpu as pltpu
from jax.experimental.pallas import tpu_sc as plsc

N = 10000
D = 128
E = 320000
ALPHA = 0.1
MIX_B = math.log1p(0.5 / 3.0)

NC = 2
NS = 16
NW = NC * NS
L = 16

EPW = E // NW
RCHUNK = 80
C = 80
CHUNKS = EPW // C
BN = 1000

_mesh = plsc.VectorSubcoreMesh(core_axis_name="c", subcore_axis_name="s")


@functools.partial(
    pl.kernel,
    out_type=jax.ShapeDtypeStruct((NW * N,), jnp.float32),
    mesh=_mesh,
    scratch_types=[
        pltpu.VMEM((EPW,), jnp.int32),
        pltpu.VMEM((N,), jnp.float32),
    ],
    compiler_params=pltpu.CompilerParams(needs_layout_passes=False),
)
def _deg_kernel(edges_hbm, deg_out, dstbuf, degbuf):
    cid = lax.axis_index("c")
    sid = lax.axis_index("s")
    wid = sid * NC + cid

    zeros = jnp.zeros((L,), jnp.float32)
    ones = jnp.ones((L,), jnp.float32)

    def _zero(i):
        degbuf[pl.ds(i * L, L)] = zeros

    pl.loop(0, N // L, unroll=8)(_zero)

    pltpu.sync_copy(edges_hbm.at[pl.ds(E + wid * EPW, EPW)], dstbuf)

    def _count(i):
        idx = dstbuf[pl.ds(i * L, L)]
        plsc.addupdate_scatter(degbuf, [idx], ones)

    pl.loop(0, EPW // L, unroll=8)(_count)

    pltpu.sync_copy(degbuf, deg_out.at[pl.ds(wid * N, N)])




def _scale_body(deg_ref, f_ref, g_ref):
    deg = jnp.sum(deg_ref[0], axis=0) + 1.0
    dinv = lax.rsqrt(deg)
    g_ref[...] = f_ref[...] * dinv[:, None]


_scale_kernel = pl.pallas_call(
    _scale_body,
    grid=(N // BN,),
    in_specs=[
        pl.BlockSpec((1, NW, BN), lambda j: (j, 0, 0)),
        pl.BlockSpec((BN, D), lambda j: (j, 0)),
    ],
    out_specs=pl.BlockSpec((BN, D), lambda j: (j, 0)),
    out_shape=jax.ShapeDtypeStruct((N, D), jnp.float32),
)


@functools.partial(
    pl.kernel,
    out_type=jax.ShapeDtypeStruct((NC, N, D), jnp.float32),
    mesh=_mesh,
    scratch_types=[
        pltpu.VMEM_SHARED((N, D), jnp.float32),
        pltpu.VMEM((8, C), jnp.int32),
        pltpu.VMEM((8, C), jnp.int32),
        pltpu.VMEM((4 * C, D), jnp.float32),
        pltpu.SemaphoreType.DMA((4,)),
        pltpu.SemaphoreType.DMA((4,)),
        pltpu.SemaphoreType.DMA((4,)),
        pltpu.SemaphoreType.DMA,
    ],
)
def _agg_kernel(edges_hbm, g_hbm, s_out, acc, srcb, dstb,
                rows, gsems, ssems, dsems, asem):
    cid = lax.axis_index("c")
    sid = lax.axis_index("s")
    wid = cid * NS + sid

    zv = jnp.zeros((L,), jnp.float32)

    def _zrow(r):
        def _zcol(j):
            rows[r, pl.ds(j * L, L)] = zv

        pl.loop(0, D // L)(_zcol)

    pl.loop(3 * C, 4 * C, unroll=4)(_zrow)

    def _idx_start(t):
        s = t % 8
        off = wid * EPW + t * C
        pltpu.async_copy(edges_hbm.at[pl.ds(off, C)], srcb.at[s],
                         ssems.at[t % 4])
        pltpu.async_copy(edges_hbm.at[pl.ds(E + off, C)], dstb.at[s],
                         dsems.at[t % 4])

    def _idx_wait(t):
        s = t % 8
        pltpu.make_async_copy(edges_hbm.at[pl.ds(0, C)], srcb.at[s],
                              ssems.at[t % 4]).wait()
        pltpu.make_async_copy(edges_hbm.at[pl.ds(0, C)], dstb.at[s],
                              dsems.at[t % 4]).wait()

    def _gather_start(t):
        pltpu.async_copy(g_hbm.at[srcb.at[t % 8]],
                         rows.at[pl.ds((t % 4) * C, C)], gsems.at[t % 4])

    def _gather_wait(t):
        pltpu.make_async_copy(g_hbm.at[pl.ds(0, C)],
                              rows.at[pl.ds((t % 4) * C, C)],
                              gsems.at[t % 4]).wait()

    def _scatter_wait(t):
        pltpu.make_async_copy(rows.at[pl.ds((t % 4) * C, C)],
                              acc.at[dstb.at[t % 8]], asem).wait()

    _idx_start(0)
    _idx_start(1)
    _idx_start(2)
    _idx_start(3)
    for t in range(3):
        _idx_wait(t)
        _gather_start(t)

    def _zero(c):
        pltpu.sync_copy(rows.at[pl.ds(3 * C, C)],
                        acc.at[pl.ds(c * RCHUNK, RCHUNK)])

    pl.loop(sid, N // RCHUNK, step=NS)(_zero)
    plsc.subcore_barrier()

    def _step(t):
        _gather_wait(t)

        @pl.when(t > 0)
        def _():
            _scatter_wait(t - 1)

        @pl.when(t + 3 < CHUNKS)
        def _():
            _idx_wait(t + 3)
            _gather_start(t + 3)

        @pl.when(t + 4 < CHUNKS)
        def _():
            _idx_start(t + 4)

        pltpu.async_copy(rows.at[pl.ds((t % 4) * C, C)],
                         acc.at[dstb.at[t % 8]], asem, add=True)

    pl.loop(0, CHUNKS)(_step)

    _scatter_wait(CHUNKS - 1)
    plsc.subcore_barrier()

    def _dump(c):
        pltpu.async_copy(acc.at[pl.ds(c * RCHUNK, RCHUNK)],
                         s_out.at[cid, pl.ds(c * RCHUNK, RCHUNK)], asem)

    pl.loop(sid, N // RCHUNK, step=NS)(_dump)

    def _dump_wait(c):
        pltpu.make_async_copy(acc.at[pl.ds(0, RCHUNK)],
                              s_out.at[cid, pl.ds(0, RCHUNK)], asem).wait()

    pl.loop(sid, N // RCHUNK, step=NS)(_dump_wait)


def _final_body(deg_ref, s_ref, g_ref, h_ref, w_ref, o_ref):
    deg = jnp.sum(deg_ref[0], axis=0) + 1.0
    dinv = lax.rsqrt(deg)
    s = s_ref[0] + s_ref[1] + g_ref[...]
    tr = (1.0 - ALPHA) * (s * dinv[:, None]) + ALPHA * h_ref[...]
    o_ref[...] = (1.0 - MIX_B) * tr + MIX_B * jnp.dot(
        tr, w_ref[...], preferred_element_type=jnp.float32)


_final_kernel = pl.pallas_call(
    _final_body,
    grid=(N // BN,),
    in_specs=[
        pl.BlockSpec((1, NW, BN), lambda j: (j, 0, 0)),
        pl.BlockSpec((NC, BN, D), lambda j: (0, j, 0)),
        pl.BlockSpec((BN, D), lambda j: (j, 0)),
        pl.BlockSpec((BN, D), lambda j: (j, 0)),
        pl.BlockSpec((D, D), lambda j: (0, 0)),
    ],
    out_specs=pl.BlockSpec((BN, D), lambda j: (j, 0)),
    out_shape=jax.ShapeDtypeStruct((N, D), jnp.float32),
)


def kernel(features, H0, W, edge_index):
    edges = edge_index.reshape(2 * E)
    deg_p = _deg_kernel(edges)
    deg_t = deg_p.reshape(NW, N // BN, BN).transpose(1, 0, 2)
    g = _scale_kernel(deg_t, features)
    s_p = _agg_kernel(edges, g)
    return _final_kernel(deg_t, s_p, g, H0, W)

# --- scband reference (transcript-rebuilt; emitter-appended) ---
"""Pipeline reference for scband-gcniilayer-1683627180106 (READ-ONLY COPY).

The authoritative reference and input builder live on the scoring server;
editing this copy changes nothing except your own understanding.
"""

import jax, jax.numpy as jnp
import numpy as np

N = 10000
D = 128
E = 320000
ALPHA = 0.1
LAMBDA = 0.5
K_LAYER = 2


def setup_inputs(seed: int = 0) -> dict:
    key = jax.random.key(seed)
    k1, k2, k3, k4 = jax.random.split(key, 4)
    features = jax.random.normal(k1, (N, D), dtype=jnp.float32)
    H0 = jax.random.normal(k2, (N, D), dtype=jnp.float32)
    W = jax.random.normal(k3, (D, D), dtype=jnp.float32) * 0.05
    edge_index = jax.random.randint(k4, (2, E), 0, N, dtype=jnp.int32)
    return {"features": features, "H0": H0, "W": W, "edge_index": edge_index}


def _normalized_agg(features, edge_index):
    # Symmetric-normalized sparse adjacency (with self-loops) times features,
    # equivalent to tf.sparse.sparse_dense_matmul(gcn.get_adjacency(0.0), features)
    src = edge_index[0]
    dst = edge_index[1]
    deg = jnp.zeros((N,), jnp.float32).at[dst].add(1.0) + 1.0  # in-degree + self-loop
    dinv = jax.lax.rsqrt(deg)
    norm = dinv[src] * dinv[dst]
    msgs = features[src] * norm[:, None]
    agg = jnp.zeros((N, D), jnp.float32).at[dst].add(msgs)
    agg = agg + features * (dinv * dinv)[:, None]  # self-loop contribution
    return agg


def reference(features, H0, W, edge_index):
    # b = beta_transformer(l / (k + 1)) with beta_transformer = log1p
    b = jnp.log1p(LAMBDA / (K_LAYER + 1))
    agg = _normalized_agg(features, edge_index)
    tradeoff = (1.0 - ALPHA) * agg + ALPHA * H0
    mix = (1.0 - b) * jnp.eye(D, dtype=jnp.float32) + b * W
    out = tradeoff @ mix
    # activation = identity, dropout = 0.0 (eval mode)
    return out

if __name__ == "__main__":
    import jax
    _d = setup_inputs()
    print(jax.jit(kernel)(*tuple(_d.values())))

</pallas_src>

<mosaic_0001>
#map = affine_map<(d0, d1) -> (0)>
module attributes {stable_mosaic.version = 14 : i64} {
  func.func @_deg_kernel(%arg0: i32, %arg1: i32, %arg2: memref<640000xi32, #tpu.memory_space<hbm>>, %arg3: memref<320000xf32, #tpu.memory_space<hbm>>, %arg4: memref<10000xi32, #tpu.memory_space<vmem>>, %arg5: memref<10000xf32, #tpu.memory_space<vmem>>) attributes {dimension_semantics = [#tpu.dimension_semantics<core_parallel>, #tpu.dimension_semantics<subcore_parallel>], iteration_bounds = array<i64: 2, 16>, scalar_prefetch = 0 : i64, scratch_operands = 2 : i64, tpu.core_type = #tpu.core_type<sc_vector_subcore>, window_params = [{transform_indices = #map}, {transform_indices = #map}]} {
    %mul3A = arith.constant 2 : i32
    %mul3A_0 = arith.muli %arg1, %mul3A : i32
    %add3A = arith.addi %mul3A_0, %arg0 : i32
    %broadcast_in_dim3A = arith.constant 0.000000e+00 : f32
    %broadcast_in_dim3A_1 = vector.broadcast %broadcast_in_dim3A : f32 to vector<16xf32>
    %broadcast_in_dim3A_2 = arith.constant 1.000000e+00 : f32
    %broadcast_in_dim3A_3 = vector.broadcast %broadcast_in_dim3A_2 : f32 to vector<16xf32>
    %scan3A = arith.constant 0 : i32
    %scan3A_4 = arith.constant 624 : i32
    %scan3A_5 = arith.addi %scan3A, %scan3A_4 : i32
    %scan3A_6 = arith.constant 8 : i32
    scf.for %scan3A_37 = %scan3A to %scan3A_5 step %scan3A_6  : i32 {
      %mul3A_38 = arith.constant 1 : i32
      %mul3A_39 = arith.muli %scan3A_37, %mul3A_38 : i32
      %add3A_40 = arith.constant 0 : i32
      %add3A_41 = arith.addi %add3A_40, %mul3A_39 : i32
      %mul3A_42 = arith.constant 16 : i32
      %mul3A_43 = arith.muli %add3A_41, %mul3A_42 : i32
      %swap3A_44 = arith.index_cast %mul3A_43 : i32 to index
      %swap3A_45 = tpu.vector_load %arg5[%swap3A_44] {strides = array<i32>} : memref<10000xf32, #tpu.memory_space<vmem>>, vector<16xf32>,
      tpu.vector_store %arg5[%swap3A_44], %broadcast_in_dim3A_1 {strides = array<i32>} : memref<10000xf32, #tpu.memory_space<vmem>>, vector<16xf32>,
      %scan3A_46 = arith.constant 1 : i32
      %scan3A_47 = arith.addi %scan3A_37, %scan3A_46 : i32
      %mul3A_48 = arith.constant 1 : i32
      %mul3A_49 = arith.muli %scan3A_47, %mul3A_48 : i32
      %add3A_50 = arith.constant 0 : i32
      %add3A_51 = arith.addi %add3A_50, %mul3A_49 : i32
      %mul3A_52 = arith.constant 16 : i32
      %mul3A_53 = arith.muli %add3A_51, %mul3A_52 : i32
      %swap3A_54 = arith.index_cast %mul3A_53 : i32 to index
      %swap3A_55 = tpu.vector_load %arg5[%swap3A_54] {strides = array<i32>} : memref<10000xf32, #tpu.memory_space<vmem>>, vector<16xf32>,
      tpu.vector_store %arg5[%swap3A_54], %broadcast_in_dim3A_1 {strides = array<i32>} : memref<10000xf32, #tpu.memory_space<vmem>>, vector<16xf32>,
      %scan3A_56 = arith.constant 2 : i32
      %scan3A_57 = arith.addi %scan3A_37, %scan3A_56 : i32
      %mul3A_58 = arith.constant 1 : i32
      %mul3A_59 = arith.muli %scan3A_57, %mul3A_58 : i32
      %add3A_60 = arith.constant 0 : i32
      %add3A_61 = arith.addi %add3A_60, %mul3A_59 : i32
      %mul3A_62 = arith.constant 16 : i32
      %mul3A_63 = arith.muli %add3A_61, %mul3A_62 : i32
      %swap3A_64 = arith.index_cast %mul3A_63 : i32 to index
      %swap3A_65 = tpu.vector_load %arg5[%swap3A_64] {strides = array<i32>} : memref<10000xf32, #tpu.memory_space<vmem>>, vector<16xf32>,
      tpu.vector_store %arg5[%swap3A_64], %broadcast_in_dim3A_1 {strides = array<i32>} : memref<10000xf32, #tpu.memory_space<vmem>>, vector<16xf32>,
      %scan3A_66 = arith.constant 3 : i32
      %scan3A_67 = arith.addi %scan3A_37, %scan3A_66 : i32
      %mul3A_68 = arith.constant 1 : i32
      %mul3A_69 = arith.muli %scan3A_67, %mul3A_68 : i32
      %add3A_70 = arith.constant 0 : i32
      %add3A_71 = arith.addi %add3A_70, %mul3A_69 : i32
      %mul3A_72 = arith.constant 16 : i32
      %mul3A_73 = arith.muli %add3A_71, %mul3A_72 : i32
      %swap3A_74 = arith.index_cast %mul3A_73 : i32 to index
      %swap3A_75 = tpu.vector_load %arg5[%swap3A_74] {strides = array<i32>} : memref<10000xf32, #tpu.memory_space<vmem>>, vector<16xf32>,
      tpu.vector_store %arg5[%swap3A_74], %broadcast_in_dim3A_1 {strides = array<i32>} : memref<10000xf32, #tpu.memory_space<vmem>>, vector<16xf32>,
      %scan3A_76 = arith.constant 4 : i32
      %scan3A_77 = arith.addi %scan3A_37, %scan3A_76 : i32
      %mul3A_78 = arith.constant 1 : i32
      %mul3A_79 = arith.muli %scan3A_77, %mul3A_78 : i32
      %add3A_80 = arith.constant 0 : i32
      %add3A_81 = arith.addi %add3A_80, %mul3A_79 : i32
      %mul3A_82 = arith.constant 16 : i32
      %mul3A_83 = arith.muli %add3A_81, %mul3A_82 : i32
      %swap3A_84 = arith.index_cast %mul3A_83 : i32 to index
      %swap3A_85 = tpu.vector_load %arg5[%swap3A_84] {strides = array<i32>} : memref<10000xf32, #tpu.memory_space<vmem>>, vector<16xf32>,
      tpu.vector_store %arg5[%swap3A_84], %broadcast_in_dim3A_1 {strides = array<i32>} : memref<10000xf32, #tpu.memory_space<vmem>>, vector<16xf32>,
      %scan3A_86 = arith.constant 5 : i32
      %scan3A_87 = arith.addi %scan3A_37, %scan3A_86 : i32
      %mul3A_88 = arith.constant 1 : i32
      %mul3A_89 = arith.muli %scan3A_87, %mul3A_88 : i32
      %add3A_90 = arith.constant 0 : i32
      %add3A_91 = arith.addi %add3A_90, %mul3A_89 : i32
      %mul3A_92 = arith.constant 16 : i32
      %mul3A_93 = arith.muli %add3A_91, %mul3A_92 : i32
      %swap3A_94 = arith.index_cast %mul3A_93 : i32 to index
      %swap3A_95 = tpu.vector_load %arg5[%swap3A_94] {strides = array<i32>} : memref<10000xf32, #tpu.memory_space<vmem>>, vector<16xf32>,
      tpu.vector_store %arg5[%swap3A_94], %broadcast_in_dim3A_1 {strides = array<i32>} : memref<10000xf32, #tpu.memory_space<vmem>>, vector<16xf32>,
      %scan3A_96 = arith.constant 6 : i32
      %scan3A_97 = arith.addi %scan3A_37, %scan3A_96 : i32
      %mul3A_98 = arith.constant 1 : i32
      %mul3A_99 = arith.muli %scan3A_97, %mul3A_98 : i32
      %add3A_100 = arith.constant 0 : i32
      %add3A_101 = arith.addi %add3A_100, %mul3A_99 : i32
      %mul3A_102 = arith.constant 16 : i32
      %mul3A_103 = arith.muli %add3A_101, %mul3A_102 : i32
      %swap3A_104 = arith.index_cast %mul3A_103 : i32 to index
      %swap3A_105 = tpu.vector_load %arg5[%swap3A_104] {strides = array<i32>} : memref<10000xf32, #tpu.memory_space<vmem>>, vector<16xf32>,
      tpu.vector_store %arg5[%swap3A_104], %broadcast_in_dim3A_1 {strides = array<i32>} : memref<10000xf32, #tpu.memory_space<vmem>>, vector<16xf32>,
      %scan3A_106 = arith.constant 7 : i32
      %scan3A_107 = arith.addi %scan3A_37, %scan3A_106 : i32
      %mul3A_108 = arith.constant 1 : i32
      %mul3A_109 = arith.muli %scan3A_107, %mul3A_108 : i32
      %add3A_110 = arith.constant 0 : i32
      %add3A_111 = arith.addi %add3A_110, %mul3A_109 : i32
      %mul3A_112 = arith.constant 16 : i32
      %mul3A_113 = arith.muli %add3A_111, %mul3A_112 : i32
      %swap3A_114 = arith.index_cast %mul3A_113 : i32 to index
      %swap3A_115 = tpu.vector_load %arg5[%swap3A_114] {strides = array<i32>} : memref<10000xf32, #tpu.memory_space<vmem>>, vector<16xf32>,
      tpu.vector_store %arg5[%swap3A_114], %broadcast_in_dim3A_1 {strides = array<i32>} : memref<10000xf32, #tpu.memory_space<vmem>>, vector<16xf32>,
    }
    %scan3A_7 = arith.constant 624 : i32
    %scan3A_8 = arith.addi %scan3A, %scan3A_7 : i32
    %mul3A_9 = arith.constant 1 : i32
    %mul3A_10 = arith.muli %scan3A_8, %mul3A_9 : i32
    %add3A_11 = arith.constant 0 : i32
    %add3A_12 = arith.addi %add3A_11, %mul3A_10 : i32
    %mul3A_13 = arith.constant 16 : i32
    %mul3A_14 = arith.muli %add3A_12, %mul3A_13 : i32
    %swap3A = arith.index_cast %mul3A_14 : i32 to index
    %swap3A_15 = tpu.vector_load %arg5[%swap3A] {strides = array<i32>} : memref<10000xf32, #tpu.memory_space<vmem>>, vector<16xf32>,
    tpu.vector_store %arg5[%swap3A], %broadcast_in_dim3A_1 {strides = array<i32>} : memref<10000xf32, #tpu.memory_space<vmem>>, vector<16xf32>,
    %scan3A_16 = arith.constant 625 : i32
    %mul3A_17 = arith.constant 10000 : i32
    %mul3A_18 = arith.muli %add3A, %mul3A_17 : i32
    %add3A_19 = arith.constant 320000 : i32
    %add3A_20 = arith.addi %add3A_19, %mul3A_18 : i32
    "tpu.region"() ({
      %run_scoped3A = tpu.sem_alloc : memref<!tpu.dma_semaphore, #tpu.memory_space<semaphore_mem>>
      %dma_start3A = tpu.memref_slice %arg2[%add3A_20] : memref<640000xi32, #tpu.memory_space<hbm>> -> memref<10000xi32, #tpu.memory_space<hbm>>
      %dma_start3A_37 = tpu.memref_slice %arg2[%add3A_20] : memref<640000xi32, #tpu.memory_space<hbm>> -> memref<10000xi32, #tpu.memory_space<hbm>>
      tpu.enqueue_dma source(%dma_start3A_37 : memref<10000xi32, #tpu.memory_space<hbm>>) target(%arg4 : memref<10000xi32, #tpu.memory_space<vmem>>) target_semaphore(%run_scoped3A : memref<!tpu.dma_semaphore, #tpu.memory_space<semaphore_mem>>)
      %dma_wait3A = tpu.memref_slice %arg2[%add3A_20] : memref<640000xi32, #tpu.memory_space<hbm>> -> memref<10000xi32, #tpu.memory_space<hbm>>
      %dma_wait3A_38 = tpu.memref_slice %arg2[%add3A_20] : memref<640000xi32, #tpu.memory_space<hbm>> -> memref<10000xi32, #tpu.memory_space<hbm>>
      tpu.wait_dma2 semaphore(%run_scoped3A : memref<!tpu.dma_semaphore, #tpu.memory_space<semaphore_mem>>) src(%dma_wait3A_38 : memref<10000xi32, #tpu.memory_space<hbm>>) dst(%arg4 : memref<10000xi32, #tpu.memory_space<vmem>>)
      tpu.yield
    }) : () -> ()
    %scan3A_21 = arith.constant 0 : i32
    %scan3A_22 = arith.constant 624 : i32
    %scan3A_23 = arith.addi %scan3A_21, %scan3A_22 : i32
    %scan3A_24 = arith.constant 8 : i32
    scf.for %scan3A_37 = %scan3A_21 to %scan3A_23 step %scan3A_24  : i32 {
      %mul3A_38 = arith.constant 1 : i32
      %mul3A_39 = arith.muli %scan3A_37, %mul3A_38 : i32
      %add3A_40 = arith.constant 0 : i32
      %add3A_41 = arith.addi %add3A_40, %mul3A_39 : i32
      %mul3A_42 = arith.constant 16 : i32
      %mul3A_43 = arith.muli %add3A_41, %mul3A_42 : i32
      %get3A_44 = arith.index_cast %mul3A_43 : i32 to index
      %get3A_45 = tpu.vector_load %arg4[%get3A_44] {strides = array<i32>} : memref<10000xi32, #tpu.memory_space<vmem>>, vector<16xi32>,
      tpu.vector_store_idx %arg5[%get3A_45], %broadcast_in_dim3A_3 {add = true} : memref<10000xf32, #tpu.memory_space<vmem>>[vector<16xi32>], vector<16xf32>,
      %scan3A_46 = arith.constant 1 : i32
      %scan3A_47 = arith.addi %scan3A_37, %scan3A_46 : i32
      %mul3A_48 = arith.constant 1 : i32
      %mul3A_49 = arith.muli %scan3A_47, %mul3A_48 : i32
      %add3A_50 = arith.constant 0 : i32
      %add3A_51 = arith.addi %add3A_50, %mul3A_49 : i32
      %mul3A_52 = arith.constant 16 : i32
      %mul3A_53 = arith.muli %add3A_51, %mul3A_52 : i32
      %get3A_54 = arith.index_cast %mul3A_53 : i32 to index
      %get3A_55 = tpu.vector_load %arg4[%get3A_54] {strides = array<i32>} : memref<10000xi32, #tpu.memory_space<vmem>>, vector<16xi32>,
      tpu.vector_store_idx %arg5[%get3A_55], %broadcast_in_dim3A_3 {add = true} : memref<10000xf32, #tpu.memory_space<vmem>>[vector<16xi32>], vector<16xf32>,
      %scan3A_56 = arith.constant 2 : i32
      %scan3A_57 = arith.addi %scan3A_37, %scan3A_56 : i32
      %mul3A_58 = arith.constant 1 : i32
      %mul3A_59 = arith.muli %scan3A_57, %mul3A_58 : i32
      %add3A_60 = arith.constant 0 : i32
      %add3A_61 = arith.addi %add3A_60, %mul3A_59 : i32
      %mul3A_62 = arith.constant 16 : i32
      %mul3A_63 = arith.muli %add3A_61, %mul3A_62 : i32
      %get3A_64 = arith.index_cast %mul3A_63 : i32 to index
      %get3A_65 = tpu.vector_load %arg4[%get3A_64] {strides = array<i32>} : memref<10000xi32, #tpu.memory_space<vmem>>, vector<16xi32>,
      tpu.vector_store_idx %arg5[%get3A_65], %broadcast_in_dim3A_3 {add = true} : memref<10000xf32, #tpu.memory_space<vmem>>[vector<16xi32>], vector<16xf32>,
      %scan3A_66 = arith.constant 3 : i32
      %scan3A_67 = arith.addi %scan3A_37, %scan3A_66 : i32
      %mul3A_68 = arith.constant 1 : i32
      %mul3A_69 = arith.muli %scan3A_67, %mul3A_68 : i32
      %add3A_70 = arith.constant 0 : i32
      %add3A_71 = arith.addi %add3A_70, %mul3A_69 : i32
      %mul3A_72 = arith.constant 16 : i32
      %mul3A_73 = arith.muli %add3A_71, %mul3A_72 : i32
      %get3A_74 = arith.index_cast %mul3A_73 : i32 to index
      %get3A_75 = tpu.vector_load %arg4[%get3A_74] {strides = array<i32>} : memref<10000xi32, #tpu.memory_space<vmem>>, vector<16xi32>,
      tpu.vector_store_idx %arg5[%get3A_75], %broadcast_in_dim3A_3 {add = true} : memref<10000xf32, #tpu.memory_space<vmem>>[vector<16xi32>], vector<16xf32>,
      %scan3A_76 = arith.constant 4 : i32
      %scan3A_77 = arith.addi %scan3A_37, %scan3A_76 : i32
      %mul3A_78 = arith.constant 1 : i32
      %mul3A_79 = arith.muli %scan3A_77, %mul3A_78 : i32
      %add3A_80 = arith.constant 0 : i32
      %add3A_81 = arith.addi %add3A_80, %mul3A_79 : i32
      %mul3A_82 = arith.constant 16 : i32
      %mul3A_83 = arith.muli %add3A_81, %mul3A_82 : i32
      %get3A_84 = arith.index_cast %mul3A_83 : i32 to index
      %get3A_85 = tpu.vector_load %arg4[%get3A_84] {strides = array<i32>} : memref<10000xi32, #tpu.memory_space<vmem>>, vector<16xi32>,
      tpu.vector_store_idx %arg5[%get3A_85], %broadcast_in_dim3A_3 {add = true} : memref<10000xf32, #tpu.memory_space<vmem>>[vector<16xi32>], vector<16xf32>,
      %scan3A_86 = arith.constant 5 : i32
      %scan3A_87 = arith.addi %scan3A_37, %scan3A_86 : i32
      %mul3A_88 = arith.constant 1 : i32
      %mul3A_89 = arith.muli %scan3A_87, %mul3A_88 : i32
      %add3A_90 = arith.constant 0 : i32
      %add3A_91 = arith.addi %add3A_90, %mul3A_89 : i32
      %mul3A_92 = arith.constant 16 : i32
      %mul3A_93 = arith.muli %add3A_91, %mul3A_92 : i32
      %get3A_94 = arith.index_cast %mul3A_93 : i32 to index
      %get3A_95 = tpu.vector_load %arg4[%get3A_94] {strides = array<i32>} : memref<10000xi32, #tpu.memory_space<vmem>>, vector<16xi32>,
      tpu.vector_store_idx %arg5[%get3A_95], %broadcast_in_dim3A_3 {add = true} : memref<10000xf32, #tpu.memory_space<vmem>>[vector<16xi32>], vector<16xf32>,
      %scan3A_96 = arith.constant 6 : i32
      %scan3A_97 = arith.addi %scan3A_37, %scan3A_96 : i32
      %mul3A_98 = arith.constant 1 : i32
      %mul3A_99 = arith.muli %scan3A_97, %mul3A_98 : i32
      %add3A_100 = arith.constant 0 : i32
      %add3A_101 = arith.addi %add3A_100, %mul3A_99 : i32
      %mul3A_102 = arith.constant 16 : i32
      %mul3A_103 = arith.muli %add3A_101, %mul3A_102 : i32
      %get3A_104 = arith.index_cast %mul3A_103 : i32 to index
      %get3A_105 = tpu.vector_load %arg4[%get3A_104] {strides = array<i32>} : memref<10000xi32, #tpu.memory_space<vmem>>, vector<16xi32>,
      tpu.vector_store_idx %arg5[%get3A_105], %broadcast_in_dim3A_3 {add = true} : memref<10000xf32, #tpu.memory_space<vmem>>[vector<16xi32>], vector<16xf32>,
      %scan3A_106 = arith.constant 7 : i32
      %scan3A_107 = arith.addi %scan3A_37, %scan3A_106 : i32
      %mul3A_108 = arith.constant 1 : i32
      %mul3A_109 = arith.muli %scan3A_107, %mul3A_108 : i32
      %add3A_110 = arith.constant 0 : i32
      %add3A_111 = arith.addi %add3A_110, %mul3A_109 : i32
      %mul3A_112 = arith.constant 16 : i32
      %mul3A_113 = arith.muli %add3A_111, %mul3A_112 : i32
      %get3A_114 = arith.index_cast %mul3A_113 : i32 to index
      %get3A_115 = tpu.vector_load %arg4[%get3A_114] {strides = array<i32>} : memref<10000xi32, #tpu.memory_space<vmem>>, vector<16xi32>,
      tpu.vector_store_idx %arg5[%get3A_115], %broadcast_in_dim3A_3 {add = true} : memref<10000xf32, #tpu.memory_space<vmem>>[vector<16xi32>], vector<16xf32>,
    }
    %scan3A_25 = arith.constant 624 : i32
    %scan3A_26 = arith.addi %scan3A_21, %scan3A_25 : i32
    %mul3A_27 = arith.constant 1 : i32
    %mul3A_28 = arith.muli %scan3A_26, %mul3A_27 : i32
    %add3A_29 = arith.constant 0 : i32
    %add3A_30 = arith.addi %add3A_29, %mul3A_28 : i32
    %mul3A_31 = arith.constant 16 : i32
    %mul3A_32 = arith.muli %add3A_30, %mul3A_31 : i32
    %get3A = arith.index_cast %mul3A_32 : i32 to index
    %get3A_33 = tpu.vector_load %arg4[%get3A] {strides = array<i32>} : memref<10000xi32, #tpu.memory_space<vmem>>, vector<16xi32>,
    tpu.vector_store_idx %arg5[%get3A_33], %broadcast_in_dim3A_3 {add = true} : memref<10000xf32, #tpu.memory_space<vmem>>[vector<16xi32>], vector<16xf32>,
    %scan3A_34 = arith.constant 625 : i32
    %mul3A_35 = arith.constant 10000 : i32
    %mul3A_36 = arith.muli %add3A, %mul3A_35 : i32
    "tpu.region"() ({
      %run_scoped3A = tpu.sem_alloc : memref<!tpu.dma_semaphore, #tpu.memory_space<semaphore_mem>>
      %dma_start3A = tpu.memref_slice %arg3[%mul3A_36] : memref<320000xf32, #tpu.memory_space<hbm>> -> memref<10000xf32, #tpu.memory_space<hbm>>
      %dma_start3A_37 = tpu.memref_slice %arg3[%mul3A_36] : memref<320000xf32, #tpu.memory_space<hbm>> -> memref<10000xf32, #tpu.memory_space<hbm>>
      tpu.enqueue_dma source(%arg5 : memref<10000xf32, #tpu.memory_space<vmem>>) target(%dma_start3A_37 : memref<10000xf32, #tpu.memory_space<hbm>>) target_semaphore(%run_scoped3A : memref<!tpu.dma_semaphore, #tpu.memory_space<semaphore_mem>>)
      %dma_wait3A = tpu.memref_slice %arg3[%mul3A_36] : memref<320000xf32, #tpu.memory_space<hbm>> -> memref<10000xf32, #tpu.memory_space<hbm>>
      %dma_wait3A_38 = tpu.memref_slice %arg3[%mul3A_36] : memref<320000xf32, #tpu.memory_space<hbm>> -> memref<10000xf32, #tpu.memory_space<hbm>>
      tpu.wait_dma2 semaphore(%run_scoped3A : memref<!tpu.dma_semaphore, #tpu.memory_space<semaphore_mem>>) src(%arg5 : memref<10000xf32, #tpu.memory_space<vmem>>) dst(%dma_wait3A_38 : memref<10000xf32, #tpu.memory_space<hbm>>)
      tpu.yield
    }) : () -> ()
    return
  }
}

#map = affine_map<(d0, d1) -> (0)>
#map1 = affine_map<(d0, d1) -> (0, 0)>
#map2 = affine_map<(d0, d1) -> (0, 0, 0)>
module attributes {stable_mosaic.version = 14 : i64} {
  func.func @_agg_kernel(%arg0: i32, %arg1: i32, %arg2: memref<640000xi32, #tpu.memory_space<hbm>>, %arg3: memref<10000x128xf32, #tpu.memory_space<hbm>>, %arg4: memref<2x10000x128xf32, #tpu.memory_space<hbm>>, %arg5: memref<10000x128xf32, #tpu.memory_space<vmem_shared>>, %arg6: memref<8x80xi32, #tpu.memory_space<vmem>>, %arg7: memref<8x80xi32, #tpu.memory_space<vmem>>, %arg8: memref<320x128xf32, #tpu.memory_space<vmem>>, %arg9: memref<4x!tpu.dma_semaphore, #tpu.memory_space<semaphore_mem>>, %arg10: memref<4x!tpu.dma_semaphore, #tpu.memory_space<semaphore_mem>>, %arg11: memref<4x!tpu.dma_semaphore, #tpu.memory_space<semaphore_mem>>, %arg12: memref<!tpu.dma_semaphore, #tpu.memory_space<semaphore_mem>>) attributes {dimension_semantics = [#tpu.dimension_semantics<core_parallel>, #tpu.dimension_semantics<subcore_parallel>], iteration_bounds = array<i64: 2, 16>, scalar_prefetch = 0 : i64, scratch_operands = 8 : i64, tpu.core_type = #tpu.core_type<sc_vector_subcore>, window_params = [{transform_indices = #map}, {transform_indices = #map1}, {transform_indices = #map2}]} {
    %mul3A = arith.constant 16 : i32
    %mul3A_0 = arith.muli %arg0, %mul3A : i32
    %add3A = arith.addi %mul3A_0, %arg1 : i32
    %broadcast_in_dim3A = arith.constant 0.000000e+00 : f32
    %broadcast_in_dim3A_1 = vector.broadcast %broadcast_in_dim3A : f32 to vector<16xf32>
    %scan3A = arith.constant 0 : i32
    %scan3A_2 = arith.constant 80 : i32
    %scan3A_3 = arith.addi %scan3A, %scan3A_2 : i32
    %scan3A_4 = arith.constant 4 : i32
    scf.for %scan3A_314 = %scan3A to %scan3A_3 step %scan3A_4  : i32 {
      %mul3A_315 = arith.constant 1 : i32
      %mul3A_316 = arith.muli %scan3A_314, %mul3A_315 : i32
      %add3A_317 = arith.constant 240 : i32
      %add3A_318 = arith.addi %add3A_317, %mul3A_316 : i32
      %scan3A_319 = arith.constant 0 : i32
      %scan3A_320 = arith.constant 8 : i32
      %scan3A_321 = arith.addi %scan3A_319, %scan3A_320 : i32
      %scan3A_322 = arith.constant 1 : i32
      scf.for %scan3A_357 = %scan3A_319 to %scan3A_321 step %scan3A_322  : i32 {
        %mul3A_358 = arith.constant 1 : i32
        %mul3A_359 = arith.muli %scan3A_357, %mul3A_358 : i32
        %add3A_360 = arith.constant 0 : i32
        %add3A_361 = arith.addi %add3A_360, %mul3A_359 : i32
        %mul3A_362 = arith.constant 16 : i32
        %mul3A_363 = arith.muli %add3A_361, %mul3A_362 : i32
        %swap3A = arith.index_cast %add3A_318 : i32 to index
        %swap3A_364 = arith.index_cast %mul3A_363 : i32 to index
        %swap3A_365 = tpu.vector_load %arg8[%swap3A, %swap3A_364] {strides = array<i32>} : memref<320x128xf32, #tpu.memory_space<vmem>>, vector<1x16xf32>,
        %swap3A_366 = vector.shape_cast %swap3A_365 : vector<1x16xf32> to vector<16xf32>
        %swap3A_367 = vector.shape_cast %broadcast_in_dim3A_1 : vector<16xf32> to vector<1x16xf32>
        tpu.vector_store %arg8[%swap3A, %swap3A_364], %swap3A_367 {strides = array<i32>} : memref<320x128xf32, #tpu.memory_space<vmem>>, vector<1x16xf32>,
      }
      %scan3A_323 = arith.constant 8 : i32
      %scan3A_324 = arith.constant 1 : i32
      %scan3A_325 = arith.addi %scan3A_314, %scan3A_324 : i32
      %mul3A_326 = arith.constant 1 : i32
      %mul3A_327 = arith.muli %scan3A_325, %mul3A_326 : i32
      %add3A_328 = arith.constant 240 : i32
      %add3A_329 = arith.addi %add3A_328, %mul3A_327 : i32
      %scan3A_330 = arith.constant 0 : i32
      %scan3A_331 = arith.constant 8 : i32
      %scan3A_332 = arith.addi %scan3A_330, %scan3A_331 : i32
      %scan3A_333 = arith.constant 1 : i32
      scf.for %scan3A_357 = %scan3A_330 to %scan3A_332 step %scan3A_333  : i32 {
        %mul3A_358 = arith.constant 1 : i32
        %mul3A_359 = arith.muli %scan3A_357, %mul3A_358 : i32
        %add3A_360 = arith.constant 0 : i32
        %add3A_361 = arith.addi %add3A_360, %mul3A_359 : i32
        %mul3A_362 = arith.constant 16 : i32
        %mul3A_363 = arith.muli %add3A_361, %mul3A_362 : i32
        %swap3A = arith.index_cast %add3A_329 : i32 to index
        %swap3A_364 = arith.index_cast %mul3A_363 : i32 to index
        %swap3A_365 = tpu.vector_load %arg8[%swap3A, %swap3A_364] {strides = array<i32>} : memref<320x128xf32, #tpu.memory_space<vmem>>, vector<1x16xf32>,
        %swap3A_366 = vector.shape_cast %swap3A_365 : vector<1x16xf32> to vector<16xf32>
        %swap3A_367 = vector.shape_cast %broadcast_in_dim3A_1 : vector<16xf32> to vector<1x16xf32>
        tpu.vector_store %arg8[%swap3A, %swap3A_364], %swap3A_367 {strides = array<i32>} : memref<320x128xf32, #tpu.memory_space<vmem>>, vector<1x16xf32>,
      }
      %scan3A_334 = arith.constant 8 : i32
      %scan3A_335 = arith.constant 2 : i32
      %scan3A_336 = arith.addi %scan3A_314, %scan3A_335 : i32
      %mul3A_337 = arith.constant 1 : i32
      %mul3A_338 = arith.muli %scan3A_336, %mul3A_337 : i32
      %add3A_339 = arith.constant 240 : i32
      %add3A_340 = arith.addi %add3A_339, %mul3A_338 : i32
      %scan3A_341 = arith.constant 0 : i32
      %scan3A_342 = arith.constant 8 : i32
      %scan3A_343 = arith.addi %scan3A_341, %scan3A_342 : i32
      %scan3A_344 = arith.constant 1 : i32
      scf.for %scan3A_357 = %scan3A_341 to %scan3A_343 step %scan3A_344  : i32 {
        %mul3A_358 = arith.constant 1 : i32
        %mul3A_359 = arith.muli %scan3A_357, %mul3A_358 : i32
        %add3A_360 = arith.constant 0 : i32
        %add3A_361 = arith.addi %add3A_360, %mul3A_359 : i32
        %mul3A_362 = arith.constant 16 : i32
        %mul3A_363 = arith.muli %add3A_361, %mul3A_362 : i32
        %swap3A = arith.index_cast %add3A_340 : i32 to index
        %swap3A_364 = arith.index_cast %mul3A_363 : i32 to index
        %swap3A_365 = tpu.vector_load %arg8[%swap3A, %swap3A_364] {strides = array<i32>} : memref<320x128xf32, #tpu.memory_space<vmem>>, vector<1x16xf32>,
        %swap3A_366 = vector.shape_cast %swap3A_365 : vector<1x16xf32> to vector<16xf32>
        %swap3A_367 = vector.shape_cast %broadcast_in_dim3A_1 : vector<16xf32> to vector<1x16xf32>
        tpu.vector_store %arg8[%swap3A, %swap3A_364], %swap3A_367 {strides = array<i32>} : memref<320x128xf32, #tpu.memory_space<vmem>>, vector<1x16xf32>,
      }
      %scan3A_345 = arith.constant 8 : i32
      %scan3A_346 = arith.constant 3 : i32
      %scan3A_347 = arith.addi %scan3A_314, %scan3A_346 : i32
      %mul3A_348 = arith.constant 1 : i32
      %mul3A_349 = arith.muli %scan3A_347, %mul3A_348 : i32
      %add3A_350 = arith.constant 240 : i32
      %add3A_351 = arith.addi %add3A_350, %mul3A_349 : i32
      %scan3A_352 = arith.constant 0 : i32
      %scan3A_353 = arith.constant 8 : i32
      %scan3A_354 = arith.addi %scan3A_352, %scan3A_353 : i32
      %scan3A_355 = arith.constant 1 : i32
      scf.for %scan3A_357 = %scan3A_352 to %scan3A_354 step %scan3A_355  : i32 {
        %mul3A_358 = arith.constant 1 : i32
        %mul3A_359 = arith.muli %scan3A_357, %mul3A_358 : i32
        %add3A_360 = arith.constant 0 : i32
        %add3A_361 = arith.addi %add3A_360, %mul3A_359 : i32
        %mul3A_362 = arith.constant 16 : i32
        %mul3A_363 = arith.muli %add3A_361, %mul3A_362 : i32
        %swap3A = arith.index_cast %add3A_351 : i32 to index
        %swap3A_364 = arith.index_cast %mul3A_363 : i32 to index
        %swap3A_365 = tpu.vector_load %arg8[%swap3A, %swap3A_364] {strides = array<i32>} : memref<320x128xf32, #tpu.memory_space<vmem>>, vector<1x16xf32>,
        %swap3A_366 = vector.shape_cast %swap3A_365 : vector<1x16xf32> to vector<16xf32>
        %swap3A_367 = vector.shape_cast %broadcast_in_dim3A_1 : vector<16xf32> to vector<1x16xf32>
        tpu.vector_store %arg8[%swap3A, %swap3A_364], %swap3A_367 {strides = array<i32>} : memref<320x128xf32, #tpu.memory_space<vmem>>, vector<1x16xf32>,
      }
      %scan3A_356 = arith.constant 8 : i32
    }
    %scan3A_5 = arith.constant 80 : i32
    %mul3A_6 = arith.constant 10000 : i32
    %mul3A_7 = arith.muli %add3A, %mul3A_6 : i32
    %add3A_8 = arith.constant 0 : i32
    %add3A_9 = arith.addi %mul3A_7, %add3A_8 : i32
    %dma_start3A = arith.constant 0 : i32
    %dma_start3A_10 = arith.constant 0 : i32
    %dma_start3A_11 = arith.constant 0 : i32
    %dma_start3A_12 = tpu.memref_slice %arg6[%dma_start3A, %dma_start3A_11] : memref<8x80xi32, #tpu.memory_space<vmem>> -> memref<1x80xi32, #tpu.memory_space<vmem>>
    %dma_start3A_13 = tpu.memref_squeeze %dma_start3A_12 : memref<1x80xi32, #tpu.memory_space<vmem>> -> memref<80xi32, #tpu.memory_space<vmem>>
    %dma_start3A_14 = tpu.memref_slice %arg2[%add3A_9] : memref<640000xi32, #tpu.memory_space<hbm>> -> memref<80xi32, #tpu.memory_space<hbm>>
    %dma_start3A_15 = tpu.memref_slice %arg10[%dma_start3A_10] : memref<4x!tpu.dma_semaphore, #tpu.memory_space<semaphore_mem>> -> memref<1x!tpu.dma_semaphore, #tpu.memory_space<semaphore_mem>>
    %dma_start3A_16 = tpu.memref_squeeze %dma_start3A_15 : memref<1x!tpu.dma_semaphore, #tpu.memory_space<semaphore_mem>> -> memref<!tpu.dma_semaphore, #tpu.memory_space<semaphore_mem>>
    %dma_start3A_17 = arith.constant 0 : i32
    %dma_start3A_18 = tpu.memref_slice %arg6[%dma_start3A, %dma_start3A_17] : memref<8x80xi32, #tpu.memory_space<vmem>> -> memref<1x80xi32, #tpu.memory_space<vmem>>
    %dma_start3A_19 = tpu.memref_squeeze %dma_start3A_18 : memref<1x80xi32, #tpu.memory_space<vmem>> -> memref<80xi32, #tpu.memory_space<vmem>>
    %dma_start3A_20 = tpu.memref_slice %arg2[%add3A_9] : memref<640000xi32, #tpu.memory_space<hbm>> -> memref<80xi32, #tpu.memory_space<hbm>>
    tpu.enqueue_dma source(%dma_start3A_20 : memref<80xi32, #tpu.memory_space<hbm>>) target(%dma_start3A_19 : memref<80xi32, #tpu.memory_space<vmem>>) target_semaphore(%dma_start3A_16 : memref<!tpu.dma_semaphore, #tpu.memory_space<semaphore_mem>>)
    %add3A_21 = arith.constant 320000 : i32
    %add3A_22 = arith.addi %add3A_21, %add3A_9 : i32
    %dma_start3A_23 = arith.constant 0 : i32
    %dma_start3A_24 = arith.constant 0 : i32
    %dma_start3A_25 = arith.constant 0 : i32
    %dma_start3A_26 = tpu.memref_slice %arg7[%dma_start3A_23, %dma_start3A_25] : memref<8x80xi32, #tpu.memory_space<vmem>> -> memref<1x80xi32, #tpu.memory_space<vmem>>
    %dma_start3A_27 = tpu.memref_squeeze %dma_start3A_26 : memref<1x80xi32, #tpu.memory_space<vmem>> -> memref<80xi32, #tpu.memory_space<vmem>>
    %dma_start3A_28 = tpu.memref_slice %arg2[%add3A_22] : memref<640000xi32, #tpu.memory_space<hbm>> -> memref<80xi32, #tpu.memory_space<hbm>>
    %dma_start3A_29 = tpu.memref_slice %arg11[%dma_start3A_24] : memref<4x!tpu.dma_semaphore, #tpu.memory_space<semaphore_mem>> -> memref<1x!tpu.dma_semaphore, #tpu.memory_space<semaphore_mem>>
    %dma_start3A_30 = tpu.memref_squeeze %dma_start3A_29 : memref<1x!tpu.dma_semaphore, #tpu.memory_space<semaphore_mem>> -> memref<!tpu.dma_semaphore, #tpu.memory_space<semaphore_mem>>
    %dma_start3A_31 = arith.constant 0 : i32
    %dma_start3A_32 = tpu.memref_slice %arg7[%dma_start3A_23, %dma_start3A_31] : memref<8x80xi32, #tpu.memory_space<vmem>> -> memref<1x80xi32, #tpu.memory_space<vmem>>
    %dma_start3A_33 = tpu.memref_squeeze %dma_start3A_32 : memref<1x80xi32, #tpu.memory_space<vmem>> -> memref<80xi32, #tpu.memory_space<vmem>>
    %dma_start3A_34 = tpu.memref_slice %arg2[%add3A_22] : memref<640000xi32, #tpu.memory_space<hbm>> -> memref<80xi32, #tpu.memory_space<hbm>>
    tpu.enqueue_dma source(%dma_start3A_34 : memref<80xi32, #tpu.memory_space<hbm>>) target(%dma_start3A_33 : memref<80xi32, #tpu.memory_space<vmem>>) target_semaphore(%dma_start3A_30 : memref<!tpu.dma_semaphore, #tpu.memory_space<semaphore_mem>>)
    %mul3A_35 = arith.constant 10000 : i32
    %mul3A_36 = arith.muli %add3A, %mul3A_35 : i32
    %add3A_37 = arith.constant 80 : i32
    %add3A_38 = arith.addi %mul3A_36, %add3A_37 : i32
    %dma_start3A_39 = arith.constant 1 : i32
    %dma_start3A_40 = arith.constant 1 : i32
    %dma_start3A_41 = arith.constant 0 : i32
    %dma_start3A_42 = tpu.memref_slice %arg6[%dma_start3A_39, %dma_start3A_41] : memref<8x80xi32, #tpu.memory_space<vmem>> -> memref<1x80xi32, #tpu.memory_space<vmem>>
    %dma_start3A_43 = tpu.memref_squeeze %dma_start3A_42 : memref<1x80xi32, #tpu.memory_space<vmem>> -> memref<80xi32, #tpu.memory_space<vmem>>
    %dma_start3A_44 = tpu.memref_slice %arg2[%add3A_38] : memref<640000xi32, #tpu.memory_space<hbm>> -> memref<80xi32, #tpu.memory_space<hbm>>
    %dma_start3A_45 = tpu.memref_slice %arg10[%dma_start3A_40] : memref<4x!tpu.dma_semaphore, #tpu.memory_space<semaphore_mem>> -> memref<1x!tpu.dma_semaphore, #tpu.memory_space<semaphore_mem>>
    %dma_start3A_46 = tpu.memref_squeeze %dma_start3A_45 : memref<1x!tpu.dma_semaphore, #tpu.memory_space<semaphore_mem>> -> memref<!tpu.dma_semaphore, #tpu.memory_space<semaphore_mem>>
    %dma_start3A_47 = arith.constant 0 : i32
    %dma_start3A_48 = tpu.memref_slice %arg6[%dma_start3A_39, %dma_start3A_47] : memref<8x80xi32, #tpu.memory_space<vmem>> -> memref<1x80xi32, #tpu.memory_space<vmem>>
    %dma_start3A_49 = tpu.memref_squeeze %dma_start3A_48 : memref<1x80xi32, #tpu.memory_space<vmem>> -> memref<80xi32, #tpu.memory_space<vmem>>
    %dma_start3A_50 = tpu.memref_slice %arg2[%add3A_38] : memref<640000xi32, #tpu.memory_space<hbm>> -> memref<80xi32, #tpu.memory_space<hbm>>
    tpu.enqueue_dma source(%dma_start3A_50 : memref<80xi32, #tpu.memory_space<hbm>>) target(%dma_start3A_49 : memref<80xi32, #tpu.memory_space<vmem>>) target_semaphore(%dma_start3A_46 : memref<!tpu.dma_semaphore, #tpu.memory_space<semaphore_mem>>)
    %add3A_51 = arith.constant 320000 : i32
    %add3A_52 = arith.addi %add3A_51, %add3A_38 : i32
    %dma_start3A_53 = arith.constant 1 : i32
    %dma_start3A_54 = arith.constant 1 : i32
    %dma_start3A_55 = arith.constant 0 : i32
    %dma_start3A_56 = tpu.memref_slice %arg7[%dma_start3A_53, %dma_start3A_55] : memref<8x80xi32, #tpu.memory_space<vmem>> -> memref<1x80xi32, #tpu.memory_space<vmem>>
    %dma_start3A_57 = tpu.memref_squeeze %dma_start3A_56 : memref<1x80xi32, #tpu.memory_space<vmem>> -> memref<80xi32, #tpu.memory_space<vmem>>
    %dma_start3A_58 = tpu.memref_slice %arg2[%add3A_52] : memref<640000xi32, #tpu.memory_space<hbm>> -> memref<80xi32, #tpu.memory_space<hbm>>
    %dma_start3A_59 = tpu.memref_slice %arg11[%dma_start3A_54] : memref<4x!tpu.dma_semaphore, #tpu.memory_space<semaphore_mem>> -> memref<1x!tpu.dma_semaphore, #tpu.memory_space<semaphore_mem>>
    %dma_start3A_60 = tpu.memref_squeeze %dma_start3A_59 : memref<1x!tpu.dma_semaphore, #tpu.memory_space<semaphore_mem>> -> memref<!tpu.dma_semaphore, #tpu.memory_space<semaphore_mem>>
    %dma_start3A_61 = arith.constant 0 : i32
    %dma_start3A_62 = tpu.memref_slice %arg7[%dma_start3A_53, %dma_start3A_61] : memref<8x80xi32, #tpu.memory_space<vmem>> -> memref<1x80xi32, #tpu.memory_space<vmem>>
    %dma_start3A_63 = tpu.memref_squeeze %dma_start3A_62 : memref<1x80xi32, #tpu.memory_space<vmem>> -> memref<80xi32, #tpu.memory_space<vmem>>
    %dma_start3A_64 = tpu.memref_slice %arg2[%add3A_52] : memref<640000xi32, #tpu.memory_space<hbm>> -> memref<80xi32, #tpu.memory_space<hbm>>
    tpu.enqueue_dma source(%dma_start3A_64 : memref<80xi32, #tpu.memory_space<hbm>>) target(%dma_start3A_63 : memref<80xi32, #tpu.memory_space<vmem>>) target_semaphore(%dma_start3A_60 : memref<!tpu.dma_semaphore, #tpu.memory_space<semaphore_mem>>)
    %mul3A_65 = arith.constant 10000 : i32
    %mul3A_66 = arith.muli %add3A, %mul3A_65 : i32
    %add3A_67 = arith.constant 160 : i32
    %add3A_68 = arith.addi %mul3A_66, %add3A_67 : i32
    %dma_start3A_69 = arith.constant 2 : i32
    %dma_start3A_70 = arith.constant 2 : i32
    %dma_start3A_71 = arith.constant 0 : i32
    %dma_start3A_72 = tpu.memref_slice %arg6[%dma_start3A_69, %dma_start3A_71] : memref<8x80xi32, #tpu.memory_space<vmem>> -> memref<1x80xi32, #tpu.memory_space<vmem>>
    %dma_start3A_73 = tpu.memref_squeeze %dma_start3A_72 : memref<1x80xi32, #tpu.memory_space<vmem>> -> memref<80xi32, #tpu.memory_space<vmem>>
    %dma_start3A_74 = tpu.memref_slice %arg2[%add3A_68] : memref<640000xi32, #tpu.memory_space<hbm>> -> memref<80xi32, #tpu.memory_space<hbm>>
    %dma_start3A_75 = tpu.memref_slice %arg10[%dma_start3A_70] : memref<4x!tpu.dma_semaphore, #tpu.memory_space<semaphore_mem>> -> memref<1x!tpu.dma_semaphore, #tpu.memory_space<semaphore_mem>>
    %dma_start3A_76 = tpu.memref_squeeze %dma_start3A_75 : memref<1x!tpu.dma_semaphore, #tpu.memory_space<semaphore_mem>> -> memref<!tpu.dma_semaphore, #tpu.memory_space<semaphore_mem>>
    %dma_start3A_77 = arith.constant 0 : i32
    %dma_start3A_78 = tpu.memref_slice %arg6[%dma_start3A_69, %dma_start3A_77] : memref<8x80xi32, #tpu.memory_space<vmem>> -> memref<1x80xi32, #tpu.memory_space<vmem>>
    %dma_start3A_79 = tpu.memref_squeeze %dma_start3A_78 : memref<1x80xi32, #tpu.memory_space<vmem>> -> memref<80xi32, #tpu.memory_space<vmem>>
    %dma_start3A_80 = tpu.memref_slice %arg2[%add3A_68] : memref<640000xi32, #tpu.memory_space<hbm>> -> memref<80xi32, #tpu.memory_space<hbm>>
    tpu.enqueue_dma source(%dma_start3A_80 : memref<80xi32, #tpu.memory_space<hbm>>) target(%dma_start3A_79 : memref<80xi32, #tpu.memory_space<vmem>>) target_semaphore(%dma_start3A_76 : memref<!tpu.dma_semaphore, #tpu.memory_space<semaphore_mem>>)
    %add3A_81 = arith.constant 320000 : i32
    %add3A_82 = arith.addi %add3A_81, %add3A_68 : i32
    %dma_start3A_83 = arith.constant 2 : i32
    %dma_start3A_84 = arith.constant 2 : i32
    %dma_start3A_85 = arith.constant 0 : i32
    %dma_start3A_86 = tpu.memref_slice %arg7[%dma_start3A_83, %dma_start3A_85] : memref<8x80xi32, #tpu.memory_space<vmem>> -> memref<1x80xi32, #tpu.memory_space<vmem>>
    %dma_start3A_87 = tpu.memref_squeeze %dma_start3A_86 : memref<1x80xi32, #tpu.memory_space<vmem>> -> memref<80xi32, #tpu.memory_space<vmem>>
    %dma_start3A_88 = tpu.memref_slice %arg2[%add3A_82] : memref<640000xi32, #tpu.memory_space<hbm>> -> memref<80xi32, #tpu.memory_space<hbm>>
    %dma_start3A_89 = tpu.memref_slice %arg11[%dma_start3A_84] : memref<4x!tpu.dma_semaphore, #tpu.memory_space<semaphore_mem>> -> memref<1x!tpu.dma_semaphore, #tpu.memory_space<semaphore_mem>>
    %dma_start3A_90 = tpu.memref_squeeze %dma_start3A_89 : memref<1x!tpu.dma_semaphore, #tpu.memory_space<semaphore_mem>> -> memref<!tpu.dma_semaphore, #tpu.memory_space<semaphore_mem>>
    %dma_start3A_91 = arith.constant 0 : i32
    %dma_start3A_92 = tpu.memref_slice %arg7[%dma_start3A_83, %dma_start3A_91] : memref<8x80xi32, #tpu.memory_space<vmem>> -> memref<1x80xi32, #tpu.memory_space<vmem>>
    %dma_start3A_93 = tpu.memref_squeeze %dma_start3A_92 : memref<1x80xi32, #tpu.memory_space<vmem>> -> memref<80xi32, #tpu.memory_space<vmem>>
    %dma_start3A_94 = tpu.memref_slice %arg2[%add3A_82] : memref<640000xi32, #tpu.memory_space<hbm>> -> memref<80xi32, #tpu.memory_space<hbm>>
    tpu.enqueue_dma source(%dma_start3A_94 : memref<80xi32, #tpu.memory_space<hbm>>) target(%dma_start3A_93 : memref<80xi32, #tpu.memory_space<vmem>>) target_semaphore(%dma_start3A_90 : memref<!tpu.dma_semaphore, #tpu.memory_space<semaphore_mem>>)
    %mul3A_95 = arith.constant 10000 : i32
    %mul3A_96 = arith.muli %add3A, %mul3A_95 : i32
    %add3A_97 = arith.constant 240 : i32
    %add3A_98 = arith.addi %mul3A_96, %add3A_97 : i32
    %dma_start3A_99 = arith.constant 3 : i32
    %dma_start3A_100 = arith.constant 3 : i32
    %dma_start3A_101 = arith.constant 0 : i32
    %dma_start3A_102 = tpu.memref_slice %arg6[%dma_start3A_99, %dma_start3A_101] : memref<8x80xi32, #tpu.memory_space<vmem>> -> memref<1x80xi32, #tpu.memory_space<vmem>>
    %dma_start3A_103 = tpu.memref_squeeze %dma_start3A_102 : memref<1x80xi32, #tpu.memory_space<vmem>> -> memref<80xi32, #tpu.memory_space<vmem>>
    %dma_start3A_104 = tpu.memref_slice %arg2[%add3A_98] : memref<640000xi32, #tpu.memory_space<hbm>> -> memref<80xi32, #tpu.memory_space<hbm>>
    %dma_start3A_105 = tpu.memref_slice %arg10[%dma_start3A_100] : memref<4x!tpu.dma_semaphore, #tpu.memory_space<semaphore_mem>> -> memref<1x!tpu.dma_semaphore, #tpu.memory_space<semaphore_mem>>
    %dma_start3A_106 = tpu.memref_squeeze %dma_start3A_105 : memref<1x!tpu.dma_semaphore, #tpu.memory_space<semaphore_mem>> -> memref<!tpu.dma_semaphore, #tpu.memory_space<semaphore_mem>>
    %dma_start3A_107 = arith.constant 0 : i32
    %dma_start3A_108 = tpu.memref_slice %arg6[%dma_start3A_99, %dma_start3A_107] : memref<8x80xi32, #tpu.memory_space<vmem>> -> memref<1x80xi32, #tpu.memory_space<vmem>>
    %dma_start3A_109 = tpu.memref_squeeze %dma_start3A_108 : memref<1x80xi32, #tpu.memory_space<vmem>> -> memref<80xi32, #tpu.memory_space<vmem>>
    %dma_start3A_110 = tpu.memref_slice %arg2[%add3A_98] : memref<640000xi32, #tpu.memory_space<hbm>> -> memref<80xi32, #tpu.memory_space<hbm>>
    tpu.enqueue_dma source(%dma_start3A_110 : memref<80xi32, #tpu.memory_space<hbm>>) target(%dma_start3A_109 : memref<80xi32, #tpu.memory_space<vmem>>) target_semaphore(%dma_start3A_106 : memref<!tpu.dma_semaphore, #tpu.memory_space<semaphore_mem>>)
    %add3A_111 = arith.constant 320000 : i32
    %add3A_112 = arith.addi %add3A_111, %add3A_98 : i32
    %dma_start3A_113 = arith.constant 3 : i32
    %dma_start3A_114 = arith.constant 3 : i32
    %dma_start3A_115 = arith.constant 0 : i32
    %dma_start3A_116 = tpu.memref_slice %arg7[%dma_start3A_113, %dma_start3A_115] : memref<8x80xi32, #tpu.memory_space<vmem>> -> memref<1x80xi32, #tpu.memory_space<vmem>>
    %dma_start3A_117 = tpu.memref_squeeze %dma_start3A_116 : memref<1x80xi32, #tpu.memory_space<vmem>> -> memref<80xi32, #tpu.memory_space<vmem>>
    %dma_start3A_118 = tpu.memref_slice %arg2[%add3A_112] : memref<640000xi32, #tpu.memory_space<hbm>> -> memref<80xi32, #tpu.memory_space<hbm>>
    %dma_start3A_119 = tpu.memref_slice %arg11[%dma_start3A_114] : memref<4x!tpu.dma_semaphore, #tpu.memory_space<semaphore_mem>> -> memref<1x!tpu.dma_semaphore, #tpu.memory_space<semaphore_mem>>
    %dma_start3A_120 = tpu.memref_squeeze %dma_start3A_119 : memref<1x!tpu.dma_semaphore, #tpu.memory_space<semaphore_mem>> -> memref<!tpu.dma_semaphore, #tpu.memory_space<semaphore_mem>>
    %dma_start3A_121 = arith.constant 0 : i32
    %dma_start3A_122 = tpu.memref_slice %arg7[%dma_start3A_113, %dma_start3A_121] : memref<8x80xi32, #tpu.memory_space<vmem>> -> memref<1x80xi32, #tpu.memory_space<vmem>>
    %dma_start3A_123 = tpu.memref_squeeze %dma_start3A_122 : memref<1x80xi32, #tpu.memory_space<vmem>> -> memref<80xi32, #tpu.memory_space<vmem>>
    %dma_start3A_124 = tpu.memref_slice %arg2[%add3A_112] : memref<640000xi32, #tpu.memory_space<hbm>> -> memref<80xi32, #tpu.memory_space<hbm>>
    tpu.enqueue_dma source(%dma_start3A_124 : memref<80xi32, #tpu.memory_space<hbm>>) target(%dma_start3A_123 : memref<80xi32, #tpu.memory_space<vmem>>) target_semaphore(%dma_start3A_120 : memref<!tpu.dma_semaphore, #tpu.memory_space<semaphore_mem>>)
    %dma_wait3A = arith.constant 0 : i32
    %dma_wait3A_125 = arith.constant 0 : i32
    %dma_wait3A_126 = arith.constant 0 : i32
    %dma_wait3A_127 = tpu.memref_slice %arg6[%dma_wait3A, %dma_wait3A_126] : memref<8x80xi32, #tpu.memory_space<vmem>> -> memref<1x80xi32, #tpu.memory_space<vmem>>
    %dma_wait3A_128 = tpu.memref_squeeze %dma_wait3A_127 : memref<1x80xi32, #tpu.memory_space<vmem>> -> memref<80xi32, #tpu.memory_space<vmem>>
    %dma_wait3A_129 = arith.constant 0 : i32
    %dma_wait3A_130 = tpu.memref_slice %arg2[%dma_wait3A_129] : memref<640000xi32, #tpu.memory_space<hbm>> -> memref<80xi32, #tpu.memory_space<hbm>>
    %dma_wait3A_131 = tpu.memref_slice %arg10[%dma_wait3A_125] : memref<4x!tpu.dma_semaphore, #tpu.memory_space<semaphore_mem>> -> memref<1x!tpu.dma_semaphore, #tpu.memory_space<semaphore_mem>>
    %dma_wait3A_132 = tpu.memref_squeeze %dma_wait3A_131 : memref<1x!tpu.dma_semaphore, #tpu.memory_space<semaphore_mem>> -> memref<!tpu.dma_semaphore, #tpu.memory_space<semaphore_mem>>
    %dma_wait3A_133 = arith.constant 0 : i32
    %dma_wait3A_134 = tpu.memref_slice %arg6[%dma_wait3A, %dma_wait3A_133] : memref<8x80xi32, #tpu.memory_space<vmem>> -> memref<1x80xi32, #tpu.memory_space<vmem>>
    %dma_wait3A_135 = tpu.memref_squeeze %dma_wait3A_134 : memref<1x80xi32, #tpu.memory_space<vmem>> -> memref<80xi32, #tpu.memory_space<vmem>>
    %dma_wait3A_136 = arith.constant 0 : i32
    %dma_wait3A_137 = tpu.memref_slice %arg2[%dma_wait3A_136] : memref<640000xi32, #tpu.memory_space<hbm>> -> memref<80xi32, #tpu.memory_space<hbm>>
    tpu.wait_dma2 semaphore(%dma_wait3A_132 : memref<!tpu.dma_semaphore, #tpu.memory_space<semaphore_mem>>) src(%dma_wait3A_137 : memref<80xi32, #tpu.memory_space<hbm>>) dst(%dma_wait3A_135 : memref<80xi32, #tpu.memory_space<vmem>>)
    %dma_wait3A_138 = arith.constant 0 : i32
    %dma_wait3A_139 = arith.constant 0 : i32
    %dma_wait3A_140 = arith.constant 0 : i32
    %dma_wait3A_141 = tpu.memref_slice %arg7[%dma_wait3A_138, %dma_wait3A_140] : memref<8x80xi32, #tpu.memory_space<vmem>> -> memref<1x80xi32, #tpu.memory_space<vmem>>
    %dma_wait3A_142 = tpu.memref_squeeze %dma_wait3A_141 : memref<1x80xi32, #tpu.memory_space<vmem>> -> memref<80xi32, #tpu.memory_space<vmem>>
    %dma_wait3A_143 = arith.constant 0 : i32
    %dma_wait3A_144 = tpu.memref_slice %arg2[%dma_wait3A_143] : memref<640000xi32, #tpu.memory_space<hbm>> -> memref<80xi32, #tpu.memory_space<hbm>>
    %dma_wait3A_145 = tpu.memref_slice %arg11[%dma_wait3A_139] : memref<4x!tpu.dma_semaphore, #tpu.memory_space<semaphore_mem>> -> memref<1x!tpu.dma_semaphore, #tpu.memory_space<semaphore_mem>>
    %dma_wait3A_146 = tpu.memref_squeeze %dma_wait3A_145 : memref<1x!tpu.dma_semaphore, #tpu.memory_space<semaphore_mem>> -> memref<!tpu.dma_semaphore, #tpu.memory_space<semaphore_mem>>
    %dma_wait3A_147 = arith.constant 0 : i32
    %dma_wait3A_148 = tpu.memref_slice %arg7[%dma_wait3A_138, %dma_wait3A_147] : memref<8x80xi32, #tpu.memory_space<vmem>> -> memref<1x80xi32, #tpu.memory_space<vmem>>
    %dma_wait3A_149 = tpu.memref_squeeze %dma_wait3A_148 : memref<1x80xi32, #tpu.memory_space<vmem>> -> memref<80xi32, #tpu.memory_space<vmem>>
    %dma_wait3A_150 = arith.constant 0 : i32
    %dma_wait3A_151 = tpu.memref_slice %arg2[%dma_wait3A_150] : memref<640000xi32, #tpu.memory_space<hbm>> -> memref<80xi32, #tpu.memory_space<hbm>>
    tpu.wait_dma2 semaphore(%dma_wait3A_146 : memref<!tpu.dma_semaphore, #tpu.memory_space<semaphore_mem>>) src(%dma_wait3A_151 : memref<80xi32, #tpu.memory_space<hbm>>) dst(%dma_wait3A_149 : memref<80xi32, #tpu.memory_space<vmem>>)
    %dma_start3A_152 = arith.constant 0 : i32
    %dma_start3A_153 = arith.constant 0 : i32
    %dma_start3A_154 = arith.constant 0 : i32
    %dma_start3A_155 = arith.constant 0 : i32
    %dma_start3A_156 = tpu.memref_slice %arg8[%dma_start3A_154, %dma_start3A_155] : memref<320x128xf32, #tpu.memory_space<vmem>> -> memref<80x128xf32, #tpu.memory_space<vmem>>
    %dma_start3A_157 = arith.constant 0 : i32
    %dma_start3A_158 = tpu.memref_slice %arg6[%dma_start3A_152, %dma_start3A_157] : memref<8x80xi32, #tpu.memory_space<vmem>> -> memref<1x80xi32, #tpu.memory_space<vmem>>
    %dma_start3A_159 = tpu.memref_squeeze %dma_start3A_158 : memref<1x80xi32, #tpu.memory_space<vmem>> -> memref<80xi32, #tpu.memory_space<vmem>>
    %dma_start3A_160 = arith.constant 0 : i32
    %dma_start3A_161 = arith.constant 0 : i32
    %dma_start3A_162 = tpu.memref_slice %arg3[%dma_start3A_160, %dma_start3A_161] : memref<10000x128xf32, #tpu.memory_space<hbm>> -> memref<10000x128xf32, #tpu.memory_space<hbm>>
    %dma_start3A_163 = tpu.memref_slice %arg9[%dma_start3A_153] : memref<4x!tpu.dma_semaphore, #tpu.memory_space<semaphore_mem>> -> memref<1x!tpu.dma_semaphore, #tpu.memory_space<semaphore_mem>>
    %dma_start3A_164 = tpu.memref_squeeze %dma_start3A_163 : memref<1x!tpu.dma_semaphore, #tpu.memory_space<semaphore_mem>> -> memref<!tpu.dma_semaphore, #tpu.memory_space<semaphore_mem>>
    tpu.enqueue_indirect_dma source(%dma_start3A_162 : memref<10000x128xf32, #tpu.memory_space<hbm>>) target(%dma_start3A_156 : memref<80x128xf32, #tpu.memory_space<vmem>>) offsets(%dma_start3A_159 : memref<80xi32, #tpu.memory_space<vmem>>) semaphore(%dma_start3A_164 : memref<!tpu.dma_semaphore, #tpu.memory_space<semaphore_mem>>)
    %dma_wait3A_165 = arith.constant 1 : i32
    %dma_wait3A_166 = arith.constant 1 : i32
    %dma_wait3A_167 = arith.constant 0 : i32
    %dma_wait3A_168 = tpu.memref_slice %arg6[%dma_wait3A_165, %dma_wait3A_167] : memref<8x80xi32, #tpu.memory_space<vmem>> -> memref<1x80xi32, #tpu.memory_space<vmem>>
    %dma_wait3A_169 = tpu.memref_squeeze %dma_wait3A_168 : memref<1x80xi32, #tpu.memory_space<vmem>> -> memref<80xi32, #tpu.memory_space<vmem>>
    %dma_wait3A_170 = arith.constant 0 : i32
    %dma_wait3A_171 = tpu.memref_slice %arg2[%dma_wait3A_170] : memref<640000xi32, #tpu.memory_space<hbm>> -> memref<80xi32, #tpu.memory_space<hbm>>
    %dma_wait3A_172 = tpu.memref_slice %arg10[%dma_wait3A_166] : memref<4x!tpu.dma_semaphore, #tpu.memory_space<semaphore_mem>> -> memref<1x!tpu.dma_semaphore, #tpu.memory_space<semaphore_mem>>
    %dma_wait3A_173 = tpu.memref_squeeze %dma_wait3A_172 : memref<1x!tpu.dma_semaphore, #tpu.memory_space<semaphore_mem>> -> memref<!tpu.dma_semaphore, #tpu.memory_space<semaphore_mem>>
    %dma_wait3A_174 = arith.constant 0 : i32
    %dma_wait3A_175 = tpu.memref_slice %arg6[%dma_wait3A_165, %dma_wait3A_174] : memref<8x80xi32, #tpu.memory_space<vmem>> -> memref<1x80xi32, #tpu.memory_space<vmem>>
    %dma_wait3A_176 = tpu.memref_squeeze %dma_wait3A_175 : memref<1x80xi32, #tpu.memory_space<vmem>> -> memref<80xi32, #tpu.memory_space<vmem>>
    %dma_wait3A_177 = arith.constant 0 : i32
    %dma_wait3A_178 = tpu.memref_slice %arg2[%dma_wait3A_177] : memref<640000xi32, #tpu.memory_space<hbm>> -> memref<80xi32, #tpu.memory_space<hbm>>
    tpu.wait_dma2 semaphore(%dma_wait3A_173 : memref<!tpu.dma_semaphore, #tpu.memory_space<semaphore_mem>>) src(%dma_wait3A_178 : memref<80xi32, #tpu.memory_space<hbm>>) dst(%dma_wait3A_176 : memref<80xi32, #tpu.memory_space<vmem>>)
    %dma_wait3A_179 = arith.constant 1 : i32
    %dma_wait3A_180 = arith.constant 1 : i32
    %dma_wait3A_181 = arith.constant 0 : i32
    %dma_wait3A_182 = tpu.memref_slice %arg7[%dma_wait3A_179, %dma_wait3A_181] : memref<8x80xi32, #tpu.memory_space<vmem>> -> memref<1x80xi32, #tpu.memory_space<vmem>>
    %dma_wait3A_183 = tpu.memref_squeeze %dma_wait3A_182 : memref<1x80xi32, #tpu.memory_space<vmem>> -> memref<80xi32, #tpu.memory_space<vmem>>
    %dma_wait3A_184 = arith.constant 0 : i32
    %dma_wait3A_185 = tpu.memref_slice %arg2[%dma_wait3A_184] : memref<640000xi32, #tpu.memory_space<hbm>> -> memref<80xi32, #tpu.memory_space<hbm>>
    %dma_wait3A_186 = tpu.memref_slice %arg11[%dma_wait3A_180] : memref<4x!tpu.dma_semaphore, #tpu.memory_space<semaphore_mem>> -> memref<1x!tpu.dma_semaphore, #tpu.memory_space<semaphore_mem>>
    %dma_wait3A_187 = tpu.memref_squeeze %dma_wait3A_186 : memref<1x!tpu.dma_semaphore, #tpu.memory_space<semaphore_mem>> -> memref<!tpu.dma_semaphore, #tpu.memory_space<semaphore_mem>>
    %dma_wait3A_188 = arith.constant 0 : i32
    %dma_wait3A_189 = tpu.memref_slice %arg7[%dma_wait3A_179, %dma_wait3A_188] : memref<8x80xi32, #tpu.memory_space<vmem>> -> memref<1x80xi32, #tpu.memory_space<vmem>>
    %dma_wait3A_190 = tpu.memref_squeeze %dma_wait3A_189 : memref<1x80xi32, #tpu.memory_space<vmem>> -> memref<80xi32, #tpu.memory_space<vmem>>
    %dma_wait3A_191 = arith.constant 0 : i32
    %dma_wait3A_192 = tpu.memref_slice %arg2[%dma_wait3A_191] : memref<640000xi32, #tpu.memory_space<hbm>> -> memref<80xi32, #tpu.memory_space<hbm>>
    tpu.wait_dma2 semaphore(%dma_wait3A_187 : memref<!tpu.dma_semaphore, #tpu.memory_space<semaphore_mem>>) src(%dma_wait3A_192 : memref<80xi32, #tpu.memory_space<hbm>>) dst(%dma_wait3A_190 : memref<80xi32, #tpu.memory_space<vmem>>)
    %dma_start3A_193 = arith.constant 1 : i32
    %dma_start3A_194 = arith.constant 1 : i32
    %dma_start3A_195 = arith.constant 80 : i32
    %dma_start3A_196 = arith.constant 0 : i32
    %dma_start3A_197 = tpu.memref_slice %arg8[%dma_start3A_195, %dma_start3A_196] : memref<320x128xf32, #tpu.memory_space<vmem>> -> memref<80x128xf32, #tpu.memory_space<vmem>>
    %dma_start3A_198 = arith.constant 0 : i32
    %dma_start3A_199 = tpu.memref_slice %arg6[%dma_start3A_193, %dma_start3A_198] : memref<8x80xi32, #tpu.memory_space<vmem>> -> memref<1x80xi32, #tpu.memory_space<vmem>>
    %dma_start3A_200 = tpu.memref_squeeze %dma_start3A_199 : memref<1x80xi32, #tpu.memory_space<vmem>> -> memref<80xi32, #tpu.memory_space<vmem>>
    %dma_start3A_201 = arith.constant 0 : i32
    %dma_start3A_202 = arith.constant 0 : i32
    %dma_start3A_203 = tpu.memref_slice %arg3[%dma_start3A_201, %dma_start3A_202] : memref<10000x128xf32, #tpu.memory_space<hbm>> -> memref<10000x128xf32, #tpu.memory_space<hbm>>
    %dma_start3A_204 = tpu.memref_slice %arg9[%dma_start3A_194] : memref<4x!tpu.dma_semaphore, #tpu.memory_space<semaphore_mem>> -> memref<1x!tpu.dma_semaphore, #tpu.memory_space<semaphore_mem>>
    %dma_start3A_205 = tpu.memref_squeeze %dma_start3A_204 : memref<1x!tpu.dma_semaphore, #tpu.memory_space<semaphore_mem>> -> memref<!tpu.dma_semaphore, #tpu.memory_space<semaphore_mem>>
    tpu.enqueue_indirect_dma source(%dma_start3A_203 : memref<10000x128xf32, #tpu.memory_space<hbm>>) target(%dma_start3A_197 : memref<80x128xf32, #tpu.memory_space<vmem>>) offsets(%dma_start3A_200 : memref<80xi32, #tpu.memory_space<vmem>>) semaphore(%dma_start3A_205 : memref<!tpu.dma_semaphore, #tpu.memory_space<semaphore_mem>>)
    %dma_wait3A_206 = arith.constant 2 : i32
    %dma_wait3A_207 = arith.constant 2 : i32
    %dma_wait3A_208 = arith.constant 0 : i32
    %dma_wait3A_209 = tpu.memref_slice %arg6[%dma_wait3A_206, %dma_wait3A_208] : memref<8x80xi32, #tpu.memory_space<vmem>> -> memref<1x80xi32, #tpu.memory_space<vmem>>
    %dma_wait3A_210 = tpu.memref_squeeze %dma_wait3A_209 : memref<1x80xi32, #tpu.memory_space<vmem>> -> memref<80xi32, #tpu.memory_space<vmem>>
    %dma_wait3A_211 = arith.constant 0 : i32
    %dma_wait3A_212 = tpu.memref_slice %arg2[%dma_wait3A_211] : memref<640000xi32, #tpu.memory_space<hbm>> -> memref<80xi32, #tpu.memory_space<hbm>>
    %dma_wait3A_213 = tpu.memref_slice %arg10[%dma_wait3A_207] : memref<4x!tpu.dma_semaphore, #tpu.memory_space<semaphore_mem>> -> memref<1x!tpu.dma_semaphore, #tpu.memory_space<semaphore_mem>>
    %dma_wait3A_214 = tpu.memref_squeeze %dma_wait3A_213 : memref<1x!tpu.dma_semaphore, #tpu.memory_space<semaphore_mem>> -> memref<!tpu.dma_semaphore, #tpu.memory_space<semaphore_mem>>
    %dma_wait3A_215 = arith.constant 0 : i32
    %dma_wait3A_216 = tpu.memref_slice %arg6[%dma_wait3A_206, %dma_wait3A_215] : memref<8x80xi32, #tpu.memory_space<vmem>> -> memref<1x80xi32, #tpu.memory_space<vmem>>
    %dma_wait3A_217 = tpu.memref_squeeze %dma_wait3A_216 : memref<1x80xi32, #tpu.memory_space<vmem>> -> memref<80xi32, #tpu.memory_space<vmem>>
    %dma_wait3A_218 = arith.constant 0 : i32
    %dma_wait3A_219 = tpu.memref_slice %arg2[%dma_wait3A_218] : memref<640000xi32, #tpu.memory_space<hbm>> -> memref<80xi32, #tpu.memory_space<hbm>>
    tpu.wait_dma2 semaphore(%dma_wait3A_214 : memref<!tpu.dma_semaphore, #tpu.memory_space<semaphore_mem>>) src(%dma_wait3A_219 : memref<80xi32, #tpu.memory_space<hbm>>) dst(%dma_wait3A_217 : memref<80xi32, #tpu.memory_space<vmem>>)
    %dma_wait3A_220 = arith.constant 2 : i32
    %dma_wait3A_221 = arith.constant 2 : i32
    %dma_wait3A_222 = arith.constant 0 : i32
    %dma_wait3A_223 = tpu.memref_slice %arg7[%dma_wait3A_220, %dma_wait3A_222] : memref<8x80xi32, #tpu.memory_space<vmem>> -> memref<1x80xi32, #tpu.memory_space<vmem>>
    %dma_wait3A_224 = tpu.memref_squeeze %dma_wait3A_223 : memref<1x80xi32, #tpu.memory_space<vmem>> -> memref<80xi32, #tpu.memory_space<vmem>>
    %dma_wait3A_225 = arith.constant 0 : i32
    %dma_wait3A_226 = tpu.memref_slice %arg2[%dma_wait3A_225] : memref<640000xi32, #tpu.memory_space<hbm>> -> memref<80xi32, #tpu.memory_space<hbm>>
    %dma_wait3A_227 = tpu.memref_slice %arg11[%dma_wait3A_221] : memref<4x!tpu.dma_semaphore, #tpu.memory_space<semaphore_mem>> -> memref<1x!tpu.dma_semaphore, #tpu.memory_space<semaphore_mem>>
    %dma_wait3A_228 = tpu.memref_squeeze %dma_wait3A_227 : memref<1x!tpu.dma_semaphore, #tpu.memory_space<semaphore_mem>> -> memref<!tpu.dma_semaphore, #tpu.memory_space<semaphore_mem>>
    %dma_wait3A_229 = arith.constant 0 : i32
    %dma_wait3A_230 = tpu.memref_slice %arg7[%dma_wait3A_220, %dma_wait3A_229] : memref<8x80xi32, #tpu.memory_space<vmem>> -> memref<1x80xi32, #tpu.memory_space<vmem>>
    %dma_wait3A_231 = tpu.memref_squeeze %dma_wait3A_230 : memref<1x80xi32, #tpu.memory_space<vmem>> -> memref<80xi32, #tpu.memory_space<vmem>>
    %dma_wait3A_232 = arith.constant 0 : i32
    %dma_wait3A_233 = tpu.memref_slice %arg2[%dma_wait3A_232] : memref<640000xi32, #tpu.memory_space<hbm>> -> memref<80xi32, #tpu.memory_space<hbm>>
    tpu.wait_dma2 semaphore(%dma_wait3A_228 : memref<!tpu.dma_semaphore, #tpu.memory_space<semaphore_mem>>) src(%dma_wait3A_233 : memref<80xi32, #tpu.memory_space<hbm>>) dst(%dma_wait3A_231 : memref<80xi32, #tpu.memory_space<vmem>>)
    %dma_start3A_234 = arith.constant 2 : i32
    %dma_start3A_235 = arith.constant 2 : i32
    %dma_start3A_236 = arith.constant 160 : i32
    %dma_start3A_237 = arith.constant 0 : i32
    %dma_start3A_238 = tpu.memref_slice %arg8[%dma_start3A_236, %dma_start3A_237] : memref<320x128xf32, #tpu.memory_space<vmem>> -> memref<80x128xf32, #tpu.memory_space<vmem>>
    %dma_start3A_239 = arith.constant 0 : i32
    %dma_start3A_240 = tpu.memref_slice %arg6[%dma_start3A_234, %dma_start3A_239] : memref<8x80xi32, #tpu.memory_space<vmem>> -> memref<1x80xi32, #tpu.memory_space<vmem>>
    %dma_start3A_241 = tpu.memref_squeeze %dma_start3A_240 : memref<1x80xi32, #tpu.memory_space<vmem>> -> memref<80xi32, #tpu.memory_space<vmem>>
    %dma_start3A_242 = arith.constant 0 : i32
    %dma_start3A_243 = arith.constant 0 : i32
    %dma_start3A_244 = tpu.memref_slice %arg3[%dma_start3A_242, %dma_start3A_243] : memref<10000x128xf32, #tpu.memory_space<hbm>> -> memref<10000x128xf32, #tpu.memory_space<hbm>>
    %dma_start3A_245 = tpu.memref_slice %arg9[%dma_start3A_235] : memref<4x!tpu.dma_semaphore, #tpu.memory_space<semaphore_mem>> -> memref<1x!tpu.dma_semaphore, #tpu.memory_space<semaphore_mem>>
    %dma_start3A_246 = tpu.memref_squeeze %dma_start3A_245 : memref<1x!tpu.dma_semaphore, #tpu.memory_space<semaphore_mem>> -> memref<!tpu.dma_semaphore, #tpu.memory_space<semaphore_mem>>
    tpu.enqueue_indirect_dma source(%dma_start3A_244 : memref<10000x128xf32, #tpu.memory_space<hbm>>) target(%dma_start3A_238 : memref<80x128xf32, #tpu.memory_space<vmem>>) offsets(%dma_start3A_241 : memref<80xi32, #tpu.memory_space<vmem>>) semaphore(%dma_start3A_246 : memref<!tpu.dma_semaphore, #tpu.memory_space<semaphore_mem>>)
    %sub3A = arith.constant 125 : i32
    %sub3A_247 = arith.subi %sub3A, %arg1 : i32
    %sub3A_248 = arith.constant 16 : i32
    %sub3A_249 = arith.constant 1 : i32
    %sub3A_250 = arith.subi %sub3A_248, %sub3A_249 : i32
    %add3A_251 = arith.addi %sub3A_247, %sub3A_250 : i32
    %div3A = arith.constant 16 : i32
    %div3A_252 = arith.divsi %add3A_251, %div3A : i32
    %while3A = arith.constant 16 : i32
    %while3A_253 = arith.constant 0 : i32
    %while3A_254 = arith.subi %div3A_252, %while3A_253 : i32
    %while3A_255 = arith.addi %while3A_253, %while3A_254 : i32
    %while3A_256 = arith.constant 1 : i32
    %while3A_257 = arith.divsi %while3A_254, %while3A_256 : i32
    %while3A_258 = arith.muli %while3A_257, %while3A_256 : i32
    %while3A_259 = arith.addi %while3A_253, %while3A_258 : i32
    %while3A_260 = arith.constant 1 : i32
    scf.for %while3A_314 = %while3A_253 to %while3A_259 step %while3A_260  : i32 {
      %mul3A_315 = arith.muli %while3A_314, %while3A : i32
      %add3A_316 = arith.addi %arg1, %mul3A_315 : i32
      %mul3A_317 = arith.constant 80 : i32
      %mul3A_318 = arith.muli %add3A_316, %mul3A_317 : i32
      "tpu.region"() ({
        %run_scoped3A = tpu.sem_alloc : memref<!tpu.dma_semaphore, #tpu.memory_space<semaphore_mem>>
        %dma_start3A_319 = arith.constant 240 : i32
        %dma_start3A_320 = arith.constant 0 : i32
        %dma_start3A_321 = tpu.memref_slice %arg8[%dma_start3A_319, %dma_start3A_320] : memref<320x128xf32, #tpu.memory_space<vmem>> -> memref<80x128xf32, #tpu.memory_space<vmem>>
        %dma_start3A_322 = arith.constant 0 : i32
        %dma_start3A_323 = tpu.memref_slice %arg5[%mul3A_318, %dma_start3A_322] : memref<10000x128xf32, #tpu.memory_space<vmem_shared>> -> memref<80x128xf32, #tpu.memory_space<vmem_shared>>
        %dma_start3A_324 = arith.constant 0 : i32
        %dma_start3A_325 = tpu.memref_slice %arg5[%mul3A_318, %dma_start3A_324] : memref<10000x128xf32, #tpu.memory_space<vmem_shared>> -> memref<80x128xf32, #tpu.memory_space<vmem_shared>>
        %dma_start3A_326 = arith.constant 240 : i32
        %dma_start3A_327 = arith.constant 0 : i32
        %dma_start3A_328 = tpu.memref_slice %arg8[%dma_start3A_326, %dma_start3A_327] : memref<320x128xf32, #tpu.memory_space<vmem>> -> memref<80x128xf32, #tpu.memory_space<vmem>>
        tpu.enqueue_dma source(%dma_start3A_328 : memref<80x128xf32, #tpu.memory_space<vmem>>) target(%dma_start3A_325 : memref<80x128xf32, #tpu.memory_space<vmem_shared>>) target_semaphore(%run_scoped3A : memref<!tpu.dma_semaphore, #tpu.memory_space<semaphore_mem>>)
        %dma_wait3A_329 = arith.constant 240 : i32
        %dma_wait3A_330 = arith.constant 0 : i32
        %dma_wait3A_331 = tpu.memref_slice %arg8[%dma_wait3A_329, %dma_wait3A_330] : memref<320x128xf32, #tpu.memory_space<vmem>> -> memref<80x128xf32, #tpu.memory_space<vmem>>
        %dma_wait3A_332 = arith.constant 0 : i32
        %dma_wait3A_333 = tpu.memref_slice %arg5[%mul3A_318, %dma_wait3A_332] : memref<10000x128xf32, #tpu.memory_space<vmem_shared>> -> memref<80x128xf32, #tpu.memory_space<vmem_shared>>
        %dma_wait3A_334 = arith.constant 0 : i32
        %dma_wait3A_335 = tpu.memref_slice %arg5[%mul3A_318, %dma_wait3A_334] : memref<10000x128xf32, #tpu.memory_space<vmem_shared>> -> memref<80x128xf32, #tpu.memory_space<vmem_shared>>
        %dma_wait3A_336 = arith.constant 240 : i32
        %dma_wait3A_337 = arith.constant 0 : i32
        %dma_wait3A_338 = tpu.memref_slice %arg8[%dma_wait3A_336, %dma_wait3A_337] : memref<320x128xf32, #tpu.memory_space<vmem>> -> memref<80x128xf32, #tpu.memory_space<vmem>>
        tpu.wait_dma2 semaphore(%run_scoped3A : memref<!tpu.dma_semaphore, #tpu.memory_space<semaphore_mem>>) src(%dma_wait3A_338 : memref<80x128xf32, #tpu.memory_space<vmem>>) dst(%dma_wait3A_335 : memref<80x128xf32, #tpu.memory_space<vmem_shared>>)
        tpu.yield
      }) : () -> ()
    }
    %while3A_261 = arith.constant 1 : i32
    scf.for %while3A_314 = %while3A_259 to %while3A_255 step %while3A_261  : i32 {
      %mul3A_315 = arith.muli %while3A_314, %while3A : i32
      %add3A_316 = arith.addi %arg1, %mul3A_315 : i32
      %mul3A_317 = arith.constant 80 : i32
      %mul3A_318 = arith.muli %add3A_316, %mul3A_317 : i32
      "tpu.region"() ({
        %run_scoped3A = tpu.sem_alloc : memref<!tpu.dma_semaphore, #tpu.memory_space<semaphore_mem>>
        %dma_start3A_319 = arith.constant 240 : i32
        %dma_start3A_320 = arith.constant 0 : i32
        %dma_start3A_321 = tpu.memref_slice %arg8[%dma_start3A_319, %dma_start3A_320] : memref<320x128xf32, #tpu.memory_space<vmem>> -> memref<80x128xf32, #tpu.memory_space<vmem>>
        %dma_start3A_322 = arith.constant 0 : i32
        %dma_start3A_323 = tpu.memref_slice %arg5[%mul3A_318, %dma_start3A_322] : memref<10000x128xf32, #tpu.memory_space<vmem_shared>> -> memref<80x128xf32, #tpu.memory_space<vmem_shared>>
        %dma_start3A_324 = arith.constant 0 : i32
        %dma_start3A_325 = tpu.memref_slice %arg5[%mul3A_318, %dma_start3A_324] : memref<10000x128xf32, #tpu.memory_space<vmem_shared>> -> memref<80x128xf32, #tpu.memory_space<vmem_shared>>
        %dma_start3A_326 = arith.constant 240 : i32
        %dma_start3A_327 = arith.constant 0 : i32
        %dma_start3A_328 = tpu.memref_slice %arg8[%dma_start3A_326, %dma_start3A_327] : memref<320x128xf32, #tpu.memory_space<vmem>> -> memref<80x128xf32, #tpu.memory_space<vmem>>
        tpu.enqueue_dma source(%dma_start3A_328 : memref<80x128xf32, #tpu.memory_space<vmem>>) target(%dma_start3A_325 : memref<80x128xf32, #tpu.memory_space<vmem_shared>>) target_semaphore(%run_scoped3A : memref<!tpu.dma_semaphore, #tpu.memory_space<semaphore_mem>>)
        %dma_wait3A_329 = arith.constant 240 : i32
        %dma_wait3A_330 = arith.constant 0 : i32
        %dma_wait3A_331 = tpu.memref_slice %arg8[%dma_wait3A_329, %dma_wait3A_330] : memref<320x128xf32, #tpu.memory_space<vmem>> -> memref<80x128xf32, #tpu.memory_space<vmem>>
        %dma_wait3A_332 = arith.constant 0 : i32
        %dma_wait3A_333 = tpu.memref_slice %arg5[%mul3A_318, %dma_wait3A_332] : memref<10000x128xf32, #tpu.memory_space<vmem_shared>> -> memref<80x128xf32, #tpu.memory_space<vmem_shared>>
        %dma_wait3A_334 = arith.constant 0 : i32
        %dma_wait3A_335 = tpu.memref_slice %arg5[%mul3A_318, %dma_wait3A_334] : memref<10000x128xf32, #tpu.memory_space<vmem_shared>> -> memref<80x128xf32, #tpu.memory_space<vmem_shared>>
        %dma_wait3A_336 = arith.constant 240 : i32
        %dma_wait3A_337 = arith.constant 0 : i32
        %dma_wait3A_338 = tpu.memref_slice %arg8[%dma_wait3A_336, %dma_wait3A_337] : memref<320x128xf32, #tpu.memory_space<vmem>> -> memref<80x128xf32, #tpu.memory_space<vmem>>
        tpu.wait_dma2 semaphore(%run_scoped3A : memref<!tpu.dma_semaphore, #tpu.memory_space<semaphore_mem>>) src(%dma_wait3A_338 : memref<80x128xf32, #tpu.memory_space<vmem>>) dst(%dma_wait3A_335 : memref<80x128xf32, #tpu.memory_space<vmem_shared>>)
        tpu.yield
      }) : () -> ()
    }
    %barrier3A = arith.constant 0 : index
    tpu.barrier barrier_id(%barrier3A)
    %scan3A_262 = arith.constant 0 : i32
    %scan3A_263 = arith.constant 125 : i32
    %scan3A_264 = arith.addi %scan3A_262, %scan3A_263 : i32
    %scan3A_265 = arith.constant 1 : i32
    scf.for %scan3A_314 = %scan3A_262 to %scan3A_264 step %scan3A_265  : i32 {
      %mul3A_315 = arith.constant 1 : i32
      %mul3A_316 = arith.muli %scan3A_314, %mul3A_315 : i32
      %add3A_317 = arith.constant 0 : i32
      %add3A_318 = arith.addi %add3A_317, %mul3A_316 : i32
      %jit3A = arith.constant 4 : i32
      %eq3A = arith.constant 0 : i32
      %eq3A_319 = arith.cmpi eq, %jit3A, %eq3A : i32
      %jit3A_320 = arith.constant 1 : i32
      %select_n3A = arith.select %eq3A_319, %jit3A_320, %jit3A : i32
      %rem3A = arith.remsi %add3A_318, %select_n3A : i32
      %ne3A = arith.constant 0 : i32
      %ne3A_321 = arith.cmpi ne, %rem3A, %ne3A : i32
      %lt3A = arith.constant 0 : i32
      %lt3A_322 = arith.cmpi slt, %rem3A, %lt3A : i32
      %lt3A_323 = arith.constant 0 : i32
      %lt3A_324 = arith.cmpi slt, %select_n3A, %lt3A_323 : i32
      %ne3A_325 = arith.xori %lt3A_322, %lt3A_324 : i1
      %and3A = arith.andi %ne3A_325, %ne3A_321 : i1
      %add3A_326 = arith.addi %rem3A, %select_n3A : i32
      %select_n3A_327 = arith.select %and3A, %add3A_326, %rem3A : i32
      %mul3A_328 = arith.constant 80 : i32
      %mul3A_329 = arith.muli %select_n3A_327, %mul3A_328 : i32
      %jit3A_330 = arith.constant 4 : i32
      %eq3A_331 = arith.constant 0 : i32
      %eq3A_332 = arith.cmpi eq, %jit3A_330, %eq3A_331 : i32
      %jit3A_333 = arith.constant 1 : i32
      %select_n3A_334 = arith.select %eq3A_332, %jit3A_333, %jit3A_330 : i32
      %rem3A_335 = arith.remsi %add3A_318, %select_n3A_334 : i32
      %ne3A_336 = arith.constant 0 : i32
      %ne3A_337 = arith.cmpi ne, %rem3A_335, %ne3A_336 : i32
      %lt3A_338 = arith.constant 0 : i32
      %lt3A_339 = arith.cmpi slt, %rem3A_335, %lt3A_338 : i32
      %lt3A_340 = arith.constant 0 : i32
      %lt3A_341 = arith.cmpi slt, %select_n3A_334, %lt3A_340 : i32
      %ne3A_342 = arith.xori %lt3A_339, %lt3A_341 : i1
      %and3A_343 = arith.andi %ne3A_342, %ne3A_337 : i1
      %add3A_344 = arith.addi %rem3A_335, %select_n3A_334 : i32
      %select_n3A_345 = arith.select %and3A_343, %add3A_344, %rem3A_335 : i32
      %dma_wait3A_346 = arith.constant 0 : i32
      %dma_wait3A_347 = tpu.memref_slice %arg8[%mul3A_329, %dma_wait3A_346] : memref<320x128xf32, #tpu.memory_space<vmem>> -> memref<80x128xf32, #tpu.memory_space<vmem>>
      %dma_wait3A_348 = arith.constant 0 : i32
      %dma_wait3A_349 = arith.constant 0 : i32
      %dma_wait3A_350 = tpu.memref_slice %arg3[%dma_wait3A_348, %dma_wait3A_349] : memref<10000x128xf32, #tpu.memory_space<hbm>> -> memref<80x128xf32, #tpu.memory_space<hbm>>
      %dma_wait3A_351 = tpu.memref_slice %arg9[%select_n3A_345] : memref<4x!tpu.dma_semaphore, #tpu.memory_space<semaphore_mem>> -> memref<1x!tpu.dma_semaphore, #tpu.memory_space<semaphore_mem>>
      %dma_wait3A_352 = tpu.memref_squeeze %dma_wait3A_351 : memref<1x!tpu.dma_semaphore, #tpu.memory_space<semaphore_mem>> -> memref<!tpu.dma_semaphore, #tpu.memory_space<semaphore_mem>>
      %dma_wait3A_353 = arith.constant 0 : i32
      %dma_wait3A_354 = tpu.memref_slice %arg8[%mul3A_329, %dma_wait3A_353] : memref<320x128xf32, #tpu.memory_space<vmem>> -> memref<80x128xf32, #tpu.memory_space<vmem>>
      %dma_wait3A_355 = arith.constant 0 : i32
      %dma_wait3A_356 = arith.constant 0 : i32
      %dma_wait3A_357 = tpu.memref_slice %arg3[%dma_wait3A_355, %dma_wait3A_356] : memref<10000x128xf32, #tpu.memory_space<hbm>> -> memref<80x128xf32, #tpu.memory_space<hbm>>
      tpu.wait_dma2 semaphore(%dma_wait3A_352 : memref<!tpu.dma_semaphore, #tpu.memory_space<semaphore_mem>>) src(%dma_wait3A_357 : memref<80x128xf32, #tpu.memory_space<hbm>>) dst(%dma_wait3A_354 : memref<80x128xf32, #tpu.memory_space<vmem>>)
      %gt3A = arith.constant 0 : i32
      %gt3A_358 = arith.cmpi sgt, %add3A_318, %gt3A : i32
      %convert_element_type3A = arith.extui %gt3A_358 : i1 to i32
      %cond3A = arith.constant 0 : i32
      %cond3A_359 = arith.cmpi ne, %convert_element_type3A, %cond3A : i32
      scf.if %cond3A_359 {
        %sub3A_416 = arith.constant 1 : i32
        %sub3A_417 = arith.subi %add3A_318, %sub3A_416 : i32
        %jit3A_418 = arith.constant 4 : i32
        %eq3A_419 = arith.constant 0 : i32
        %eq3A_420 = arith.cmpi eq, %jit3A_418, %eq3A_419 : i32
        %jit3A_421 = arith.constant 1 : i32
        %select_n3A_422 = arith.select %eq3A_420, %jit3A_421, %jit3A_418 : i32
        %rem3A_423 = arith.remsi %sub3A_417, %select_n3A_422 : i32
        %ne3A_424 = arith.constant 0 : i32
        %ne3A_425 = arith.cmpi ne, %rem3A_423, %ne3A_424 : i32
        %lt3A_426 = arith.constant 0 : i32
        %lt3A_427 = arith.cmpi slt, %rem3A_423, %lt3A_426 : i32
        %lt3A_428 = arith.constant 0 : i32
        %lt3A_429 = arith.cmpi slt, %select_n3A_422, %lt3A_428 : i32
        %ne3A_430 = arith.xori %lt3A_427, %lt3A_429 : i1
        %and3A_431 = arith.andi %ne3A_430, %ne3A_425 : i1
        %add3A_432 = arith.addi %rem3A_423, %select_n3A_422 : i32
        %select_n3A_433 = arith.select %and3A_431, %add3A_432, %rem3A_423 : i32
        %mul3A_434 = arith.constant 80 : i32
        %mul3A_435 = arith.muli %select_n3A_433, %mul3A_434 : i32
        %jit3A_436 = arith.constant 8 : i32
        %eq3A_437 = arith.constant 0 : i32
        %eq3A_438 = arith.cmpi eq, %jit3A_436, %eq3A_437 : i32
        %jit3A_439 = arith.constant 1 : i32
        %select_n3A_440 = arith.select %eq3A_438, %jit3A_439, %jit3A_436 : i32
        %rem3A_441 = arith.remsi %sub3A_417, %select_n3A_440 : i32
        %ne3A_442 = arith.constant 0 : i32
        %ne3A_443 = arith.cmpi ne, %rem3A_441, %ne3A_442 : i32
        %lt3A_444 = arith.constant 0 : i32
        %lt3A_445 = arith.cmpi slt, %rem3A_441, %lt3A_444 : i32
        %lt3A_446 = arith.constant 0 : i32
        %lt3A_447 = arith.cmpi slt, %select_n3A_440, %lt3A_446 : i32
        %ne3A_448 = arith.xori %lt3A_445, %lt3A_447 : i1
        %and3A_449 = arith.andi %ne3A_448, %ne3A_443 : i1
        %add3A_450 = arith.addi %rem3A_441, %select_n3A_440 : i32
        %select_n3A_451 = arith.select %and3A_449, %add3A_450, %rem3A_441 : i32
        %dma_wait3A_452 = arith.constant 0 : i32
        %dma_wait3A_453 = tpu.memref_slice %arg8[%mul3A_435, %dma_wait3A_452] : memref<320x128xf32, #tpu.memory_space<vmem>> -> memref<80x128xf32, #tpu.memory_space<vmem>>
        %dma_wait3A_454 = arith.constant 0 : i32
        %dma_wait3A_455 = tpu.memref_slice %arg7[%select_n3A_451, %dma_wait3A_454] : memref<8x80xi32, #tpu.memory_space<vmem>> -> memref<1x80xi32, #tpu.memory_space<vmem>>
        %dma_wait3A_456 = tpu.memref_squeeze %dma_wait3A_455 : memref<1x80xi32, #tpu.memory_space<vmem>> -> memref<80xi32, #tpu.memory_space<vmem>>
        %dma_wait3A_457 = arith.constant 0 : i32
        %dma_wait3A_458 = arith.constant 0 : i32
        %dma_wait3A_459 = tpu.memref_slice %arg5[%dma_wait3A_457, %dma_wait3A_458] : memref<10000x128xf32, #tpu.memory_space<vmem_shared>> -> memref<10000x128xf32, #tpu.memory_space<vmem_shared>>
        tpu.wait_indirect_dma semaphore(%arg12 : memref<!tpu.dma_semaphore, #tpu.memory_space<semaphore_mem>>) src(%dma_wait3A_453 : memref<80x128xf32, #tpu.memory_space<vmem>>) dst(%dma_wait3A_459 : memref<10000x128xf32, #tpu.memory_space<vmem_shared>>)
      } else {
      }
      %add3A_360 = arith.constant 3 : i32
      %add3A_361 = arith.addi %add3A_318, %add3A_360 : i32
      %lt3A_362 = arith.constant 125 : i32
      %lt3A_363 = arith.cmpi slt, %add3A_361, %lt3A_362 : i32
      %convert_element_type3A_364 = arith.extui %lt3A_363 : i1 to i32
      %cond3A_365 = arith.constant 0 : i32
      %cond3A_366 = arith.cmpi ne, %convert_element_type3A_364, %cond3A_365 : i32
      scf.if %cond3A_366 {
        %add3A_416 = arith.constant 3 : i32
        %add3A_417 = arith.addi %add3A_318, %add3A_416 : i32
        %jit3A_418 = arith.constant 8 : i32
        %eq3A_419 = arith.constant 0 : i32
        %eq3A_420 = arith.cmpi eq, %jit3A_418, %eq3A_419 : i32
        %jit3A_421 = arith.constant 1 : i32
        %select_n3A_422 = arith.select %eq3A_420, %jit3A_421, %jit3A_418 : i32
        %rem3A_423 = arith.remsi %add3A_417, %select_n3A_422 : i32
        %ne3A_424 = arith.constant 0 : i32
        %ne3A_425 = arith.cmpi ne, %rem3A_423, %ne3A_424 : i32
        %lt3A_426 = arith.constant 0 : i32
        %lt3A_427 = arith.cmpi slt, %rem3A_423, %lt3A_426 : i32
        %lt3A_428 = arith.constant 0 : i32
        %lt3A_429 = arith.cmpi slt, %select_n3A_422, %lt3A_428 : i32
        %ne3A_430 = arith.xori %lt3A_427, %lt3A_429 : i1
        %and3A_431 = arith.andi %ne3A_430, %ne3A_425 : i1
        %add3A_432 = arith.addi %rem3A_423, %select_n3A_422 : i32
        %select_n3A_433 = arith.select %and3A_431, %add3A_432, %rem3A_423 : i32
        %jit3A_434 = arith.constant 4 : i32
        %eq3A_435 = arith.constant 0 : i32
        %eq3A_436 = arith.cmpi eq, %jit3A_434, %eq3A_435 : i32
        %jit3A_437 = arith.constant 1 : i32
        %select_n3A_438 = arith.select %eq3A_436, %jit3A_437, %jit3A_434 : i32
        %rem3A_439 = arith.remsi %add3A_417, %select_n3A_438 : i32
        %ne3A_440 = arith.constant 0 : i32
        %ne3A_441 = arith.cmpi ne, %rem3A_439, %ne3A_440 : i32
        %lt3A_442 = arith.constant 0 : i32
        %lt3A_443 = arith.cmpi slt, %rem3A_439, %lt3A_442 : i32
        %lt3A_444 = arith.constant 0 : i32
        %lt3A_445 = arith.cmpi slt, %select_n3A_438, %lt3A_444 : i32
        %ne3A_446 = arith.xori %lt3A_443, %lt3A_445 : i1
        %and3A_447 = arith.andi %ne3A_446, %ne3A_441 : i1
        %add3A_448 = arith.addi %rem3A_439, %select_n3A_438 : i32
        %select_n3A_449 = arith.select %and3A_447, %add3A_448, %rem3A_439 : i32
        %dma_wait3A_450 = arith.constant 0 : i32
        %dma_wait3A_451 = tpu.memref_slice %arg6[%select_n3A_433, %dma_wait3A_450] : memref<8x80xi32, #tpu.memory_space<vmem>> -> memref<1x80xi32, #tpu.memory_space<vmem>>
        %dma_wait3A_452 = tpu.memref_squeeze %dma_wait3A_451 : memref<1x80xi32, #tpu.memory_space<vmem>> -> memref<80xi32, #tpu.memory_space<vmem>>
        %dma_wait3A_453 = arith.constant 0 : i32
        %dma_wait3A_454 = tpu.memref_slice %arg2[%dma_wait3A_453] : memref<640000xi32, #tpu.memory_space<hbm>> -> memref<80xi32, #tpu.memory_space<hbm>>
        %dma_wait3A_455 = tpu.memref_slice %arg10[%select_n3A_449] : memref<4x!tpu.dma_semaphore, #tpu.memory_space<semaphore_mem>> -> memref<1x!tpu.dma_semaphore, #tpu.memory_space<semaphore_mem>>
        %dma_wait3A_456 = tpu.memref_squeeze %dma_wait3A_455 : memref<1x!tpu.dma_semaphore, #tpu.memory_space<semaphore_mem>> -> memref<!tpu.dma_semaphore, #tpu.memory_space<semaphore_mem>>
        %dma_wait3A_457 = arith.constant 0 : i32
        %dma_wait3A_458 = tpu.memref_slice %arg6[%select_n3A_433, %dma_wait3A_457] : memref<8x80xi32, #tpu.memory_space<vmem>> -> memref<1x80xi32, #tpu.memory_space<vmem>>
        %dma_wait3A_459 = tpu.memref_squeeze %dma_wait3A_458 : memref<1x80xi32, #tpu.memory_space<vmem>> -> memref<80xi32, #tpu.memory_space<vmem>>
        %dma_wait3A_460 = arith.constant 0 : i32
        %dma_wait3A_461 = tpu.memref_slice %arg2[%dma_wait3A_460] : memref<640000xi32, #tpu.memory_space<hbm>> -> memref<80xi32, #tpu.memory_space<hbm>>
        tpu.wait_dma2 semaphore(%dma_wait3A_456 : memref<!tpu.dma_semaphore, #tpu.memory_space<semaphore_mem>>) src(%dma_wait3A_461 : memref<80xi32, #tpu.memory_space<hbm>>) dst(%dma_wait3A_459 : memref<80xi32, #tpu.memory_space<vmem>>)
        %jit3A_462 = arith.constant 4 : i32
        %eq3A_463 = arith.constant 0 : i32
        %eq3A_464 = arith.cmpi eq, %jit3A_462, %eq3A_463 : i32
        %jit3A_465 = arith.constant 1 : i32
        %select_n3A_466 = arith.select %eq3A_464, %jit3A_465, %jit3A_462 : i32
        %rem3A_467 = arith.remsi %add3A_417, %select_n3A_466 : i32
        %ne3A_468 = arith.constant 0 : i32
        %ne3A_469 = arith.cmpi ne, %rem3A_467, %ne3A_468 : i32
        %lt3A_470 = arith.constant 0 : i32
        %lt3A_471 = arith.cmpi slt, %rem3A_467, %lt3A_470 : i32
        %lt3A_472 = arith.constant 0 : i32
        %lt3A_473 = arith.cmpi slt, %select_n3A_466, %lt3A_472 : i32
        %ne3A_474 = arith.xori %lt3A_471, %lt3A_473 : i1
        %and3A_475 = arith.andi %ne3A_474, %ne3A_469 : i1
        %add3A_476 = arith.addi %rem3A_467, %select_n3A_466 : i32
        %select_n3A_477 = arith.select %and3A_475, %add3A_476, %rem3A_467 : i32
        %dma_wait3A_478 = arith.constant 0 : i32
        %dma_wait3A_479 = tpu.memref_slice %arg7[%select_n3A_433, %dma_wait3A_478] : memref<8x80xi32, #tpu.memory_space<vmem>> -> memref<1x80xi32, #tpu.memory_space<vmem>>
        %dma_wait3A_480 = tpu.memref_squeeze %dma_wait3A_479 : memref<1x80xi32, #tpu.memory_space<vmem>> -> memref<80xi32, #tpu.memory_space<vmem>>
        %dma_wait3A_481 = arith.constant 0 : i32
        %dma_wait3A_482 = tpu.memref_slice %arg2[%dma_wait3A_481] : memref<640000xi32, #tpu.memory_space<hbm>> -> memref<80xi32, #tpu.memory_space<hbm>>
        %dma_wait3A_483 = tpu.memref_slice %arg11[%select_n3A_477] : memref<4x!tpu.dma_semaphore, #tpu.memory_space<semaphore_mem>> -> memref<1x!tpu.dma_semaphore, #tpu.memory_space<semaphore_mem>>
        %dma_wait3A_484 = tpu.memref_squeeze %dma_wait3A_483 : memref<1x!tpu.dma_semaphore, #tpu.memory_space<semaphore_mem>> -> memref<!tpu.dma_semaphore, #tpu.memory_space<semaphore_mem>>
        %dma_wait3A_485 = arith.constant 0 : i32
        %dma_wait3A_486 = tpu.memref_slice %arg7[%select_n3A_433, %dma_wait3A_485] : memref<8x80xi32, #tpu.memory_space<vmem>> -> memref<1x80xi32, #tpu.memory_space<vmem>>
        %dma_wait3A_487 = tpu.memref_squeeze %dma_wait3A_486 : memref<1x80xi32, #tpu.memory_space<vmem>> -> memref<80xi32, #tpu.memory_space<vmem>>
        %dma_wait3A_488 = arith.constant 0 : i32
        %dma_wait3A_489 = tpu.memref_slice %arg2[%dma_wait3A_488] : memref<640000xi32, #tpu.memory_space<hbm>> -> memref<80xi32, #tpu.memory_space<hbm>>
        tpu.wait_dma2 semaphore(%dma_wait3A_484 : memref<!tpu.dma_semaphore, #tpu.memory_space<semaphore_mem>>) src(%dma_wait3A_489 : memref<80xi32, #tpu.memory_space<hbm>>) dst(%dma_wait3A_487 : memref<80xi32, #tpu.memory_space<vmem>>)
        %add3A_490 = arith.constant 3 : i32
        %add3A_491 = arith.addi %add3A_318, %add3A_490 : i32
        %jit3A_492 = arith.constant 8 : i32
        %eq3A_493 = arith.constant 0 : i32
        %eq3A_494 = arith.cmpi eq, %jit3A_492, %eq3A_493 : i32
        %jit3A_495 = arith.constant 1 : i32
        %select_n3A_496 = arith.select %eq3A_494, %jit3A_495, %jit3A_492 : i32
        %rem3A_497 = arith.remsi %add3A_491, %select_n3A_496 : i32
        %ne3A_498 = arith.constant 0 : i32
        %ne3A_499 = arith.cmpi ne, %rem3A_497, %ne3A_498 : i32
        %lt3A_500 = arith.constant 0 : i32
        %lt3A_501 = arith.cmpi slt, %rem3A_497, %lt3A_500 : i32
        %lt3A_502 = arith.constant 0 : i32
        %lt3A_503 = arith.cmpi slt, %select_n3A_496, %lt3A_502 : i32
        %ne3A_504 = arith.xori %lt3A_501, %lt3A_503 : i1
        %and3A_505 = arith.andi %ne3A_504, %ne3A_499 : i1
        %add3A_506 = arith.addi %rem3A_497, %select_n3A_496 : i32
        %select_n3A_507 = arith.select %and3A_505, %add3A_506, %rem3A_497 : i32
        %jit3A_508 = arith.constant 4 : i32
        %eq3A_509 = arith.constant 0 : i32
        %eq3A_510 = arith.cmpi eq, %jit3A_508, %eq3A_509 : i32
        %jit3A_511 = arith.constant 1 : i32
        %select_n3A_512 = arith.select %eq3A_510, %jit3A_511, %jit3A_508 : i32
        %rem3A_513 = arith.remsi %add3A_491, %select_n3A_512 : i32
        %ne3A_514 = arith.constant 0 : i32
        %ne3A_515 = arith.cmpi ne, %rem3A_513, %ne3A_514 : i32
        %lt3A_516 = arith.constant 0 : i32
        %lt3A_517 = arith.cmpi slt, %rem3A_513, %lt3A_516 : i32
        %lt3A_518 = arith.constant 0 : i32
        %lt3A_519 = arith.cmpi slt, %select_n3A_512, %lt3A_518 : i32
        %ne3A_520 = arith.xori %lt3A_517, %lt3A_519 : i1
        %and3A_521 = arith.andi %ne3A_520, %ne3A_515 : i1
        %add3A_522 = arith.addi %rem3A_513, %select_n3A_512 : i32
        %select_n3A_523 = arith.select %and3A_521, %add3A_522, %rem3A_513 : i32
        %mul3A_524 = arith.constant 80 : i32
        %mul3A_525 = arith.muli %select_n3A_523, %mul3A_524 : i32
        %jit3A_526 = arith.constant 4 : i32
        %eq3A_527 = arith.constant 0 : i32
        %eq3A_528 = arith.cmpi eq, %jit3A_526, %eq3A_527 : i32
        %jit3A_529 = arith.constant 1 : i32
        %select_n3A_530 = arith.select %eq3A_528, %jit3A_529, %jit3A_526 : i32
        %rem3A_531 = arith.remsi %add3A_491, %select_n3A_530 : i32
        %ne3A_532 = arith.constant 0 : i32
        %ne3A_533 = arith.cmpi ne, %rem3A_531, %ne3A_532 : i32
        %lt3A_534 = arith.constant 0 : i32
        %lt3A_535 = arith.cmpi slt, %rem3A_531, %lt3A_534 : i32
        %lt3A_536 = arith.constant 0 : i32
        %lt3A_537 = arith.cmpi slt, %select_n3A_530, %lt3A_536 : i32
        %ne3A_538 = arith.xori %lt3A_535, %lt3A_537 : i1
        %and3A_539 = arith.andi %ne3A_538, %ne3A_533 : i1
        %add3A_540 = arith.addi %rem3A_531, %select_n3A_530 : i32
        %select_n3A_541 = arith.select %and3A_539, %add3A_540, %rem3A_531 : i32
        %dma_start3A_542 = arith.constant 0 : i32
        %dma_start3A_543 = tpu.memref_slice %arg8[%mul3A_525, %dma_start3A_542] : memref<320x128xf32, #tpu.memory_space<vmem>> -> memref<80x128xf32, #tpu.memory_space<vmem>>
        %dma_start3A_544 = arith.constant 0 : i32
        %dma_start3A_545 = tpu.memref_slice %arg6[%select_n3A_507, %dma_start3A_544] : memref<8x80xi32, #tpu.memory_space<vmem>> -> memref<1x80xi32, #tpu.memory_space<vmem>>
        %dma_start3A_546 = tpu.memref_squeeze %dma_start3A_545 : memref<1x80xi32, #tpu.memory_space<vmem>> -> memref<80xi32, #tpu.memory_space<vmem>>
        %dma_start3A_547 = arith.constant 0 : i32
        %dma_start3A_548 = arith.constant 0 : i32
        %dma_start3A_549 = tpu.memref_slice %arg3[%dma_start3A_547, %dma_start3A_548] : memref<10000x128xf32, #tpu.memory_space<hbm>> -> memref<10000x128xf32, #tpu.memory_space<hbm>>
        %dma_start3A_550 = tpu.memref_slice %arg9[%select_n3A_541] : memref<4x!tpu.dma_semaphore, #tpu.memory_space<semaphore_mem>> -> memref<1x!tpu.dma_semaphore, #tpu.memory_space<semaphore_mem>>
        %dma_start3A_551 = tpu.memref_squeeze %dma_start3A_550 : memref<1x!tpu.dma_semaphore, #tpu.memory_space<semaphore_mem>> -> memref<!tpu.dma_semaphore, #tpu.memory_space<semaphore_mem>>
        tpu.enqueue_indirect_dma source(%dma_start3A_549 : memref<10000x128xf32, #tpu.memory_space<hbm>>) target(%dma_start3A_543 : memref<80x128xf32, #tpu.memory_space<vmem>>) offsets(%dma_start3A_546 : memref<80xi32, #tpu.memory_space<vmem>>) semaphore(%dma_start3A_551 : memref<!tpu.dma_semaphore, #tpu.memory_space<semaphore_mem>>)
      } else {
      }
      %add3A_367 = arith.constant 4 : i32
      %add3A_368 = arith.addi %add3A_318, %add3A_367 : i32
      %lt3A_369 = arith.constant 125 : i32
      %lt3A_370 = arith.cmpi slt, %add3A_368, %lt3A_369 : i32
      %convert_element_type3A_371 = arith.extui %lt3A_370 : i1 to i32
      %cond3A_372 = arith.constant 0 : i32
      %cond3A_373 = arith.cmpi ne, %convert_element_type3A_371, %cond3A_372 : i32
      scf.if %cond3A_373 {
        %add3A_416 = arith.constant 4 : i32
        %add3A_417 = arith.addi %add3A_318, %add3A_416 : i32
        %jit3A_418 = arith.constant 8 : i32
        %eq3A_419 = arith.constant 0 : i32
        %eq3A_420 = arith.cmpi eq, %jit3A_418, %eq3A_419 : i32
        %jit3A_421 = arith.constant 1 : i32
        %select_n3A_422 = arith.select %eq3A_420, %jit3A_421, %jit3A_418 : i32
        %rem3A_423 = arith.remsi %add3A_417, %select_n3A_422 : i32
        %ne3A_424 = arith.constant 0 : i32
        %ne3A_425 = arith.cmpi ne, %rem3A_423, %ne3A_424 : i32
        %lt3A_426 = arith.constant 0 : i32
        %lt3A_427 = arith.cmpi slt, %rem3A_423, %lt3A_426 : i32
        %lt3A_428 = arith.constant 0 : i32
        %lt3A_429 = arith.cmpi slt, %select_n3A_422, %lt3A_428 : i32
        %ne3A_430 = arith.xori %lt3A_427, %lt3A_429 : i1
        %and3A_431 = arith.andi %ne3A_430, %ne3A_425 : i1
        %add3A_432 = arith.addi %rem3A_423, %select_n3A_422 : i32
        %select_n3A_433 = arith.select %and3A_431, %add3A_432, %rem3A_423 : i32
        %mul3A_434 = arith.constant 10000 : i32
        %mul3A_435 = arith.muli %add3A, %mul3A_434 : i32
        %mul3A_436 = arith.constant 80 : i32
        %mul3A_437 = arith.muli %add3A_417, %mul3A_436 : i32
        %add3A_438 = arith.addi %mul3A_435, %mul3A_437 : i32
        %jit3A_439 = arith.constant 4 : i32
        %eq3A_440 = arith.constant 0 : i32
        %eq3A_441 = arith.cmpi eq, %jit3A_439, %eq3A_440 : i32
        %jit3A_442 = arith.constant 1 : i32
        %select_n3A_443 = arith.select %eq3A_441, %jit3A_442, %jit3A_439 : i32
        %rem3A_444 = arith.remsi %add3A_417, %select_n3A_443 : i32
        %ne3A_445 = arith.constant 0 : i32
        %ne3A_446 = arith.cmpi ne, %rem3A_444, %ne3A_445 : i32
        %lt3A_447 = arith.constant 0 : i32
        %lt3A_448 = arith.cmpi slt, %rem3A_444, %lt3A_447 : i32
        %lt3A_449 = arith.constant 0 : i32
        %lt3A_450 = arith.cmpi slt, %select_n3A_443, %lt3A_449 : i32
        %ne3A_451 = arith.xori %lt3A_448, %lt3A_450 : i1
        %and3A_452 = arith.andi %ne3A_451, %ne3A_446 : i1
        %add3A_453 = arith.addi %rem3A_444, %select_n3A_443 : i32
        %select_n3A_454 = arith.select %and3A_452, %add3A_453, %rem3A_444 : i32
        %dma_start3A_455 = arith.constant 0 : i32
        %dma_start3A_456 = tpu.memref_slice %arg6[%select_n3A_433, %dma_start3A_455] : memref<8x80xi32, #tpu.memory_space<vmem>> -> memref<1x80xi32, #tpu.memory_space<vmem>>
        %dma_start3A_457 = tpu.memref_squeeze %dma_start3A_456 : memref<1x80xi32, #tpu.memory_space<vmem>> -> memref<80xi32, #tpu.memory_space<vmem>>
        %dma_start3A_458 = tpu.memref_slice %arg2[%add3A_438] : memref<640000xi32, #tpu.memory_space<hbm>> -> memref<80xi32, #tpu.memory_space<hbm>>
        %dma_start3A_459 = tpu.memref_slice %arg10[%select_n3A_454] : memref<4x!tpu.dma_semaphore, #tpu.memory_space<semaphore_mem>> -> memref<1x!tpu.dma_semaphore, #tpu.memory_space<semaphore_mem>>
        %dma_start3A_460 = tpu.memref_squeeze %dma_start3A_459 : memref<1x!tpu.dma_semaphore, #tpu.memory_space<semaphore_mem>> -> memref<!tpu.dma_semaphore, #tpu.memory_space<semaphore_mem>>
        %dma_start3A_461 = arith.constant 0 : i32
        %dma_start3A_462 = tpu.memref_slice %arg6[%select_n3A_433, %dma_start3A_461] : memref<8x80xi32, #tpu.memory_space<vmem>> -> memref<1x80xi32, #tpu.memory_space<vmem>>
        %dma_start3A_463 = tpu.memref_squeeze %dma_start3A_462 : memref<1x80xi32, #tpu.memory_space<vmem>> -> memref<80xi32, #tpu.memory_space<vmem>>
        %dma_start3A_464 = tpu.memref_slice %arg2[%add3A_438] : memref<640000xi32, #tpu.memory_space<hbm>> -> memref<80xi32, #tpu.memory_space<hbm>>
        tpu.enqueue_dma source(%dma_start3A_464 : memref<80xi32, #tpu.memory_space<hbm>>) target(%dma_start3A_463 : memref<80xi32, #tpu.memory_space<vmem>>) target_semaphore(%dma_start3A_460 : memref<!tpu.dma_semaphore, #tpu.memory_space<semaphore_mem>>)
        %add3A_465 = arith.constant 320000 : i32
        %add3A_466 = arith.addi %add3A_465, %add3A_438 : i32
        %jit3A_467 = arith.constant 4 : i32
        %eq3A_468 = arith.constant 0 : i32
        %eq3A_469 = arith.cmpi eq, %jit3A_467, %eq3A_468 : i32
        %jit3A_470 = arith.constant 1 : i32
        %select_n3A_471 = arith.select %eq3A_469, %jit3A_470, %jit3A_467 : i32
        %rem3A_472 = arith.remsi %add3A_417, %select_n3A_471 : i32
        %ne3A_473 = arith.constant 0 : i32
        %ne3A_474 = arith.cmpi ne, %rem3A_472, %ne3A_473 : i32
        %lt3A_475 = arith.constant 0 : i32
        %lt3A_476 = arith.cmpi slt, %rem3A_472, %lt3A_475 : i32
        %lt3A_477 = arith.constant 0 : i32
        %lt3A_478 = arith.cmpi slt, %select_n3A_471, %lt3A_477 : i32
        %ne3A_479 = arith.xori %lt3A_476, %lt3A_478 : i1
        %and3A_480 = arith.andi %ne3A_479, %ne3A_474 : i1
        %add3A_481 = arith.addi %rem3A_472, %select_n3A_471 : i32
        %select_n3A_482 = arith.select %and3A_480, %add3A_481, %rem3A_472 : i32
        %dma_start3A_483 = arith.constant 0 : i32
        %dma_start3A_484 = tpu.memref_slice %arg7[%select_n3A_433, %dma_start3A_483] : memref<8x80xi32, #tpu.memory_space<vmem>> -> memref<1x80xi32, #tpu.memory_space<vmem>>
        %dma_start3A_485 = tpu.memref_squeeze %dma_start3A_484 : memref<1x80xi32, #tpu.memory_space<vmem>> -> memref<80xi32, #tpu.memory_space<vmem>>
        %dma_start3A_486 = tpu.memref_slice %arg2[%add3A_466] : memref<640000xi32, #tpu.memory_space<hbm>> -> memref<80xi32, #tpu.memory_space<hbm>>
        %dma_start3A_487 = tpu.memref_slice %arg11[%select_n3A_482] : memref<4x!tpu.dma_semaphore, #tpu.memory_space<semaphore_mem>> -> memref<1x!tpu.dma_semaphore, #tpu.memory_space<semaphore_mem>>
        %dma_start3A_488 = tpu.memref_squeeze %dma_start3A_487 : memref<1x!tpu.dma_semaphore, #tpu.memory_space<semaphore_mem>> -> memref<!tpu.dma_semaphore, #tpu.memory_space<semaphore_mem>>
        %dma_start3A_489 = arith.constant 0 : i32
        %dma_start3A_490 = tpu.memref_slice %arg7[%select_n3A_433, %dma_start3A_489] : memref<8x80xi32, #tpu.memory_space<vmem>> -> memref<1x80xi32, #tpu.memory_space<vmem>>
        %dma_start3A_491 = tpu.memref_squeeze %dma_start3A_490 : memref<1x80xi32, #tpu.memory_space<vmem>> -> memref<80xi32, #tpu.memory_space<vmem>>
        %dma_start3A_492 = tpu.memref_slice %arg2[%add3A_466] : memref<640000xi32, #tpu.memory_space<hbm>> -> memref<80xi32, #tpu.memory_space<hbm>>
        tpu.enqueue_dma source(%dma_start3A_492 : memref<80xi32, #tpu.memory_space<hbm>>) target(%dma_start3A_491 : memref<80xi32, #tpu.memory_space<vmem>>) target_semaphore(%dma_start3A_488 : memref<!tpu.dma_semaphore, #tpu.memory_space<semaphore_mem>>)
      } else {
      }
      %jit3A_374 = arith.constant 4 : i32
      %eq3A_375 = arith.constant 0 : i32
      %eq3A_376 = arith.cmpi eq, %jit3A_374, %eq3A_375 : i32
      %jit3A_377 = arith.constant 1 : i32
      %select_n3A_378 = arith.select %eq3A_376, %jit3A_377, %jit3A_374 : i32
      %rem3A_379 = arith.remsi %add3A_318, %select_n3A_378 : i32
      %ne3A_380 = arith.constant 0 : i32
      %ne3A_381 = arith.cmpi ne, %rem3A_379, %ne3A_380 : i32
      %lt3A_382 = arith.constant 0 : i32
      %lt3A_383 = arith.cmpi slt, %rem3A_379, %lt3A_382 : i32
      %lt3A_384 = arith.constant 0 : i32
      %lt3A_385 = arith.cmpi slt, %select_n3A_378, %lt3A_384 : i32
      %ne3A_386 = arith.xori %lt3A_383, %lt3A_385 : i1
      %and3A_387 = arith.andi %ne3A_386, %ne3A_381 : i1
      %add3A_388 = arith.addi %rem3A_379, %select_n3A_378 : i32
      %select_n3A_389 = arith.select %and3A_387, %add3A_388, %rem3A_379 : i32
      %mul3A_390 = arith.constant 80 : i32
      %mul3A_391 = arith.muli %select_n3A_389, %mul3A_390 : i32
      %jit3A_392 = arith.constant 8 : i32
      %eq3A_393 = arith.constant 0 : i32
      %eq3A_394 = arith.cmpi eq, %jit3A_392, %eq3A_393 : i32
      %jit3A_395 = arith.constant 1 : i32
      %select_n3A_396 = arith.select %eq3A_394, %jit3A_395, %jit3A_392 : i32
      %rem3A_397 = arith.remsi %add3A_318, %select_n3A_396 : i32
      %ne3A_398 = arith.constant 0 : i32
      %ne3A_399 = arith.cmpi ne, %rem3A_397, %ne3A_398 : i32
      %lt3A_400 = arith.constant 0 : i32
      %lt3A_401 = arith.cmpi slt, %rem3A_397, %lt3A_400 : i32
      %lt3A_402 = arith.constant 0 : i32
      %lt3A_403 = arith.cmpi slt, %select_n3A_396, %lt3A_402 : i32
      %ne3A_404 = arith.xori %lt3A_401, %lt3A_403 : i1
      %and3A_405 = arith.andi %ne3A_404, %ne3A_399 : i1
      %add3A_406 = arith.addi %rem3A_397, %select_n3A_396 : i32
      %select_n3A_407 = arith.select %and3A_405, %add3A_406, %rem3A_397 : i32
      %dma_start3A_408 = arith.constant 0 : i32
      %dma_start3A_409 = tpu.memref_slice %arg8[%mul3A_391, %dma_start3A_408] : memref<320x128xf32, #tpu.memory_space<vmem>> -> memref<80x128xf32, #tpu.memory_space<vmem>>
      %dma_start3A_410 = arith.constant 0 : i32
      %dma_start3A_411 = tpu.memref_slice %arg7[%select_n3A_407, %dma_start3A_410] : memref<8x80xi32, #tpu.memory_space<vmem>> -> memref<1x80xi32, #tpu.memory_space<vmem>>
      %dma_start3A_412 = tpu.memref_squeeze %dma_start3A_411 : memref<1x80xi32, #tpu.memory_space<vmem>> -> memref<80xi32, #tpu.memory_space<vmem>>
      %dma_start3A_413 = arith.constant 0 : i32
      %dma_start3A_414 = arith.constant 0 : i32
      %dma_start3A_415 = tpu.memref_slice %arg5[%dma_start3A_413, %dma_start3A_414] : memref<10000x128xf32, #tpu.memory_space<vmem_shared>> -> memref<10000x128xf32, #tpu.memory_space<vmem_shared>>
      tpu.enqueue_indirect_dma source(%dma_start3A_409 : memref<80x128xf32, #tpu.memory_space<vmem>>) target(%dma_start3A_415 : memref<10000x128xf32, #tpu.memory_space<vmem_shared>>) offsets(%dma_start3A_412 : memref<80xi32, #tpu.memory_space<vmem>>) semaphore(%arg12 : memref<!tpu.dma_semaphore, #tpu.memory_space<semaphore_mem>>) {add = true}
    }
    %scan3A_266 = arith.constant 125 : i32
    %dma_wait3A_267 = arith.constant 4 : i32
    %dma_wait3A_268 = arith.constant 0 : i32
    %dma_wait3A_269 = arith.constant 0 : i32
    %dma_wait3A_270 = tpu.memref_slice %arg8[%dma_wait3A_268, %dma_wait3A_269] : memref<320x128xf32, #tpu.memory_space<vmem>> -> memref<80x128xf32, #tpu.memory_space<vmem>>
    %dma_wait3A_271 = arith.constant 0 : i32
    %dma_wait3A_272 = tpu.memref_slice %arg7[%dma_wait3A_267, %dma_wait3A_271] : memref<8x80xi32, #tpu.memory_space<vmem>> -> memref<1x80xi32, #tpu.memory_space<vmem>>
    %dma_wait3A_273 = tpu.memref_squeeze %dma_wait3A_272 : memref<1x80xi32, #tpu.memory_space<vmem>> -> memref<80xi32, #tpu.memory_space<vmem>>
    %dma_wait3A_274 = arith.constant 0 : i32
    %dma_wait3A_275 = arith.constant 0 : i32
    %dma_wait3A_276 = tpu.memref_slice %arg5[%dma_wait3A_274, %dma_wait3A_275] : memref<10000x128xf32, #tpu.memory_space<vmem_shared>> -> memref<10000x128xf32, #tpu.memory_space<vmem_shared>>
    tpu.wait_indirect_dma semaphore(%arg12 : memref<!tpu.dma_semaphore, #tpu.memory_space<semaphore_mem>>) src(%dma_wait3A_270 : memref<80x128xf32, #tpu.memory_space<vmem>>) dst(%dma_wait3A_276 : memref<10000x128xf32, #tpu.memory_space<vmem_shared>>)
    %barrier3A_277 = arith.constant 0 : index
    tpu.barrier barrier_id(%barrier3A_277)
    %sub3A_278 = arith.constant 125 : i32
    %sub3A_279 = arith.subi %sub3A_278, %arg1 : i32
    %sub3A_280 = arith.constant 16 : i32
    %sub3A_281 = arith.constant 1 : i32
    %sub3A_282 = arith.subi %sub3A_280, %sub3A_281 : i32
    %add3A_283 = arith.addi %sub3A_279, %sub3A_282 : i32
    %div3A_284 = arith.constant 16 : i32
    %div3A_285 = arith.divsi %add3A_283, %div3A_284 : i32
    %while3A_286 = arith.constant 16 : i32
    %while3A_287 = arith.constant 0 : i32
    %while3A_288 = arith.subi %div3A_285, %while3A_287 : i32
    %while3A_289 = arith.addi %while3A_287, %while3A_288 : i32
    %while3A_290 = arith.constant 1 : i32
    %while3A_291 = arith.divsi %while3A_288, %while3A_290 : i32
    %while3A_292 = arith.muli %while3A_291, %while3A_290 : i32
    %while3A_293 = arith.addi %while3A_287, %while3A_292 : i32
    %while3A_294 = arith.constant 1 : i32
    scf.for %while3A_314 = %while3A_287 to %while3A_293 step %while3A_294  : i32 {
      %mul3A_315 = arith.muli %while3A_314, %while3A_286 : i32
      %add3A_316 = arith.addi %arg1, %mul3A_315 : i32
      %mul3A_317 = arith.constant 80 : i32
      %mul3A_318 = arith.muli %add3A_316, %mul3A_317 : i32
      %mul3A_319 = arith.constant 80 : i32
      %mul3A_320 = arith.muli %add3A_316, %mul3A_319 : i32
      %dma_start3A_321 = arith.constant 0 : i32
      %dma_start3A_322 = tpu.memref_slice %arg4[%arg0, %mul3A_320, %dma_start3A_321] : memref<2x10000x128xf32, #tpu.memory_space<hbm>> -> memref<1x80x128xf32, #tpu.memory_space<hbm>>
      %dma_start3A_323 = tpu.memref_squeeze %dma_start3A_322 : memref<1x80x128xf32, #tpu.memory_space<hbm>> -> memref<80x128xf32, #tpu.memory_space<hbm>>
      %dma_start3A_324 = arith.constant 0 : i32
      %dma_start3A_325 = tpu.memref_slice %arg5[%mul3A_318, %dma_start3A_324] : memref<10000x128xf32, #tpu.memory_space<vmem_shared>> -> memref<80x128xf32, #tpu.memory_space<vmem_shared>>
      tpu.enqueue_dma source(%dma_start3A_325 : memref<80x128xf32, #tpu.memory_space<vmem_shared>>) target(%dma_start3A_323 : memref<80x128xf32, #tpu.memory_space<hbm>>) target_semaphore(%arg12 : memref<!tpu.dma_semaphore, #tpu.memory_space<semaphore_mem>>)
    }
    %while3A_295 = arith.constant 1 : i32
    scf.for %while3A_314 = %while3A_293 to %while3A_289 step %while3A_295  : i32 {
      %mul3A_315 = arith.muli %while3A_314, %while3A_286 : i32
      %add3A_316 = arith.addi %arg1, %mul3A_315 : i32
      %mul3A_317 = arith.constant 80 : i32
      %mul3A_318 = arith.muli %add3A_316, %mul3A_317 : i32
      %mul3A_319 = arith.constant 80 : i32
      %mul3A_320 = arith.muli %add3A_316, %mul3A_319 : i32
      %dma_start3A_321 = arith.constant 0 : i32
      %dma_start3A_322 = tpu.memref_slice %arg4[%arg0, %mul3A_320, %dma_start3A_321] : memref<2x10000x128xf32, #tpu.memory_space<hbm>> -> memref<1x80x128xf32, #tpu.memory_space<hbm>>
      %dma_start3A_323 = tpu.memref_squeeze %dma_start3A_322 : memref<1x80x128xf32, #tpu.memory_space<hbm>> -> memref<80x128xf32, #tpu.memory_space<hbm>>
      %dma_start3A_324 = arith.constant 0 : i32
      %dma_start3A_325 = tpu.memref_slice %arg5[%mul3A_318, %dma_start3A_324] : memref<10000x128xf32, #tpu.memory_space<vmem_shared>> -> memref<80x128xf32, #tpu.memory_space<vmem_shared>>
      tpu.enqueue_dma source(%dma_start3A_325 : memref<80x128xf32, #tpu.memory_space<vmem_shared>>) target(%dma_start3A_323 : memref<80x128xf32, #tpu.memory_space<hbm>>) target_semaphore(%arg12 : memref<!tpu.dma_semaphore, #tpu.memory_space<semaphore_mem>>)
    }
    %sub3A_296 = arith.constant 125 : i32
    %sub3A_297 = arith.subi %sub3A_296, %arg1 : i32
    %sub3A_298 = arith.constant 16 : i32
    %sub3A_299 = arith.constant 1 : i32
    %sub3A_300 = arith.subi %sub3A_298, %sub3A_299 : i32
    %add3A_301 = arith.addi %sub3A_297, %sub3A_300 : i32
    %div3A_302 = arith.constant 16 : i32
    %div3A_303 = arith.divsi %add3A_301, %div3A_302 : i32
    %while3A_304 = arith.constant 16 : i32
    %while3A_305 = arith.constant 0 : i32
    %while3A_306 = arith.subi %div3A_303, %while3A_305 : i32
    %while3A_307 = arith.addi %while3A_305, %while3A_306 : i32
    %while3A_308 = arith.constant 1 : i32
    %while3A_309 = arith.divsi %while3A_306, %while3A_308 : i32
    %while3A_310 = arith.muli %while3A_309, %while3A_308 : i32
    %while3A_311 = arith.addi %while3A_305, %while3A_310 : i32
    %while3A_312 = arith.constant 1 : i32
    scf.for %while3A_314 = %while3A_305 to %while3A_311 step %while3A_312  : i32 {
      %mul3A_315 = arith.muli %while3A_314, %while3A_304 : i32
      %add3A_316 = arith.addi %arg1, %mul3A_315 : i32
      %dma_wait3A_317 = arith.constant 0 : i32
      %dma_wait3A_318 = arith.constant 0 : i32
      %dma_wait3A_319 = tpu.memref_slice %arg4[%arg0, %dma_wait3A_317, %dma_wait3A_318] : memref<2x10000x128xf32, #tpu.memory_space<hbm>> -> memref<1x80x128xf32, #tpu.memory_space<hbm>>
      %dma_wait3A_320 = tpu.memref_squeeze %dma_wait3A_319 : memref<1x80x128xf32, #tpu.memory_space<hbm>> -> memref<80x128xf32, #tpu.memory_space<hbm>>
      %dma_wait3A_321 = arith.constant 0 : i32
      %dma_wait3A_322 = arith.constant 0 : i32
      %dma_wait3A_323 = tpu.memref_slice %arg5[%dma_wait3A_321, %dma_wait3A_322] : memref<10000x128xf32, #tpu.memory_space<vmem_shared>> -> memref<80x128xf32, #tpu.memory_space<vmem_shared>>
      tpu.wait_dma2 semaphore(%arg12 : memref<!tpu.dma_semaphore, #tpu.memory_space<semaphore_mem>>) src(%dma_wait3A_323 : memref<80x128xf32, #tpu.memory_space<vmem_shared>>) dst(%dma_wait3A_320 : memref<80x128xf32, #tpu.memory_space<hbm>>)
    }
    %while3A_313 = arith.constant 1 : i32
    scf.for %while3A_314 = %while3A_311 to %while3A_307 step %while3A_313  : i32 {
      %mul3A_315 = arith.muli %while3A_314, %while3A_304 : i32
      %add3A_316 = arith.addi %arg1, %mul3A_315 : i32
      %dma_wait3A_317 = arith.constant 0 : i32
      %dma_wait3A_318 = arith.constant 0 : i32
      %dma_wait3A_319 = tpu.memref_slice %arg4[%arg0, %dma_wait3A_317, %dma_wait3A_318] : memref<2x10000x128xf32, #tpu.memory_space<hbm>> -> memref<1x80x128xf32, #tpu.memory_space<hbm>>
      %dma_wait3A_320 = tpu.memref_squeeze %dma_wait3A_319 : memref<1x80x128xf32, #tpu.memory_space<hbm>> -> memref<80x128xf32, #tpu.memory_space<hbm>>
      %dma_wait3A_321 = arith.constant 0 : i32
      %dma_wait3A_322 = arith.constant 0 : i32
      %dma_wait3A_323 = tpu.memref_slice %arg5[%dma_wait3A_321, %dma_wait3A_322] : memref<10000x128xf32, #tpu.memory_space<vmem_shared>> -> memref<80x128xf32, #tpu.memory_space<vmem_shared>>
      tpu.wait_dma2 semaphore(%arg12 : memref<!tpu.dma_semaphore, #tpu.memory_space<semaphore_mem>>) src(%dma_wait3A_323 : memref<80x128xf32, #tpu.memory_space<vmem_shared>>) dst(%dma_wait3A_320 : memref<80x128xf32, #tpu.memory_space<hbm>>)
    }
    return
  }
}

module attributes {stable_mosaic.version = 14 : i64} {
  func.func @_scale_body(%arg0: i32, %arg1: memref<1x32x1000xf32, #tpu.memory_space<vmem>>, %arg2: memref<1000x128xf32, #tpu.memory_space<vmem>>, %arg3: memref<1000x128xf32, #tpu.memory_space<vmem>>) attributes {dimension_semantics = [#tpu.dimension_semantics<arbitrary>], iteration_bounds = array<i64: 10>, scalar_prefetch = 0 : i64, scratch_operands = 0 : i64, tpu.core_type = #tpu.core_type<tc>, window_params = [{transform_indices = @transform_0, window_bounds = array<i64: 1, 32, 1000>}, {transform_indices = @transform_1, window_bounds = array<i64: 1000, 128>}, {transform_indices = @transform_2, window_bounds = array<i64: 1000, 128>}]} {
    %get3A = arith.constant 0 : index
    %get3A_0 = arith.constant 0 : index
    %get3A_1 = arith.constant 0 : index
    %get3A_2 = vector.load %arg1[%get3A, %get3A_0, %get3A_1] : memref<1x32x1000xf32, #tpu.memory_space<vmem>>, vector<1x32x1000xf32>
    %get3A_3 = vector.shape_cast %get3A_2 : vector<1x32x1000xf32> to vector<32x1000xf32>
    %reduce_sum3A = arith.constant dense<0.000000e+00> : vector<1000xf32>
    %reduce_sum3A_4 = vector.multi_reduction <add>, %get3A_3, %reduce_sum3A [0] : vector<32x1000xf32> to vector<1000xf32>
    %add3A = arith.constant 1.000000e+00 : f32
    %add3A_5 = vector.broadcast %add3A : f32 to vector<1000xf32>
    %add3A_6 = arith.addf %reduce_sum3A_4, %add3A_5 : vector<1000xf32>
    %rsqrt3A = math.rsqrt %add3A_6 : vector<1000xf32>
    %get3A_7 = arith.constant 0 : index
    %get3A_8 = arith.constant 0 : index
    %get3A_9 = vector.load %arg2[%get3A_7, %get3A_8] : memref<1000x128xf32, #tpu.memory_space<vmem>>, vector<1000x128xf32>
    %broadcast_in_dim3A = vector.shape_cast %rsqrt3A : vector<1000xf32> to vector<1000x1xf32>
    %mul3A = vector.broadcast %broadcast_in_dim3A : vector<1000x1xf32> to vector<1000x128xf32>
    %mul3A_10 = arith.mulf %get3A_9, %mul3A : vector<1000x128xf32>
    %swap3A = arith.constant 0 : index
    %swap3A_11 = arith.constant 0 : index
    %swap3A_12 = vector.load %arg3[%swap3A, %swap3A_11] : memref<1000x128xf32, #tpu.memory_space<vmem>>, vector<1000x128xf32>
    tpu.vector_store %arg3[%swap3A, %swap3A_11], %mul3A_10 {strides = array<i32>} : memref<1000x128xf32, #tpu.memory_space<vmem>>, vector<1000x128xf32>,
    return
  }
  func.func @transform_0(%arg0: i32) -> (i32, i32, i32) {
    %c0_i32 = arith.constant 0 : i32
    %c0_i32_0 = arith.constant 0 : i32
    %c0_i32_1 = arith.constant 0 : i32
    return %arg0, %c0_i32, %c0_i32_0 : i32, i32, i32
  }
  func.func @transform_1(%arg0: i32) -> (i32, i32) {
    %c0_i32 = arith.constant 0 : i32
    %c0_i32_0 = arith.constant 0 : i32
    return %arg0, %c0_i32 : i32, i32
  }
  func.func @transform_2(%arg0: i32) -> (i32, i32) {
    %c0_i32 = arith.constant 0 : i32
    %c0_i32_0 = arith.constant 0 : i32
    return %arg0, %c0_i32 : i32, i32
  }
}

module attributes {stable_mosaic.version = 14 : i64} {
  func.func @_final_body(%arg0: i32, %arg1: memref<1x32x1000xf32, #tpu.memory_space<vmem>>, %arg2: memref<2x1000x128xf32, #tpu.memory_space<vmem>>, %arg3: memref<1000x128xf32, #tpu.memory_space<vmem>>, %arg4: memref<1000x128xf32, #tpu.memory_space<vmem>>, %arg5: memref<128x128xf32, #tpu.memory_space<vmem>>, %arg6: memref<1000x128xf32, #tpu.memory_space<vmem>>) attributes {dimension_semantics = [#tpu.dimension_semantics<arbitrary>], iteration_bounds = array<i64: 10>, scalar_prefetch = 0 : i64, scratch_operands = 0 : i64, tpu.core_type = #tpu.core_type<tc>, window_params = [{transform_indices = @transform_0, window_bounds = array<i64: 1, 32, 1000>}, {transform_indices = @transform_1, window_bounds = array<i64: 2, 1000, 128>}, {transform_indices = @transform_2, window_bounds = array<i64: 1000, 128>}, {transform_indices = @transform_3, window_bounds = array<i64: 1000, 128>}, {pipeline_mode = #tpu.pipeline_mode<synchronous>, transform_indices = @transform_4, window_bounds = array<i64: 128, 128>}, {transform_indices = @transform_5, window_bounds = array<i64: 1000, 128>}]} {
    %get3A = arith.constant 0 : index
    %get3A_0 = arith.constant 0 : index
    %get3A_1 = arith.constant 0 : index
    %get3A_2 = vector.load %arg1[%get3A, %get3A_0, %get3A_1] : memref<1x32x1000xf32, #tpu.memory_space<vmem>>, vector<1x32x1000xf32>
    %get3A_3 = vector.shape_cast %get3A_2 : vector<1x32x1000xf32> to vector<32x1000xf32>
    %reduce_sum3A = arith.constant dense<0.000000e+00> : vector<1000xf32>
    %reduce_sum3A_4 = vector.multi_reduction <add>, %get3A_3, %reduce_sum3A [0] : vector<32x1000xf32> to vector<1000xf32>
    %add3A = arith.constant 1.000000e+00 : f32
    %add3A_5 = vector.broadcast %add3A : f32 to vector<1000xf32>
    %add3A_6 = arith.addf %reduce_sum3A_4, %add3A_5 : vector<1000xf32>
    %rsqrt3A = math.rsqrt %add3A_6 : vector<1000xf32>
    %get3A_7 = arith.constant 0 : index
    %get3A_8 = arith.constant 0 : index
    %get3A_9 = arith.constant 0 : index
    %get3A_10 = vector.load %arg2[%get3A_7, %get3A_8, %get3A_9] : memref<2x1000x128xf32, #tpu.memory_space<vmem>>, vector<1x1000x128xf32>
    %get3A_11 = vector.shape_cast %get3A_10 : vector<1x1000x128xf32> to vector<1000x128xf32>
    %get3A_12 = arith.constant 1 : index
    %get3A_13 = arith.constant 0 : index
    %get3A_14 = arith.constant 0 : index
    %get3A_15 = vector.load %arg2[%get3A_12, %get3A_13, %get3A_14] : memref<2x1000x128xf32, #tpu.memory_space<vmem>>, vector<1x1000x128xf32>
    %get3A_16 = vector.shape_cast %get3A_15 : vector<1x1000x128xf32> to vector<1000x128xf32>
    %add3A_17 = arith.addf %get3A_11, %get3A_16 : vector<1000x128xf32>
    %get3A_18 = arith.constant 0 : index
    %get3A_19 = arith.constant 0 : index
    %get3A_20 = vector.load %arg3[%get3A_18, %get3A_19] : memref<1000x128xf32, #tpu.memory_space<vmem>>, vector<1000x128xf32>
    %add3A_21 = arith.addf %add3A_17, %get3A_20 : vector<1000x128xf32>
    %broadcast_in_dim3A = vector.shape_cast %rsqrt3A : vector<1000xf32> to vector<1000x1xf32>
    %mul3A = vector.broadcast %broadcast_in_dim3A : vector<1000x1xf32> to vector<1000x128xf32>
    %mul3A_22 = arith.mulf %add3A_21, %mul3A : vector<1000x128xf32>
    %mul3A_23 = arith.constant 0.899999976 : f32
    %mul3A_24 = vector.broadcast %mul3A_23 : f32 to vector<1000x128xf32>
    %mul3A_25 = arith.mulf %mul3A_24, %mul3A_22 : vector<1000x128xf32>
    %get3A_26 = arith.constant 0 : index
    %get3A_27 = arith.constant 0 : index
    %get3A_28 = vector.load %arg4[%get3A_26, %get3A_27] : memref<1000x128xf32, #tpu.memory_space<vmem>>, vector<1000x128xf32>
    %mul3A_29 = arith.constant 1.000000e-01 : f32
    %mul3A_30 = vector.broadcast %mul3A_29 : f32 to vector<1000x128xf32>
    %mul3A_31 = arith.mulf %mul3A_30, %get3A_28 : vector<1000x128xf32>
    %add3A_32 = arith.addf %mul3A_25, %mul3A_31 : vector<1000x128xf32>
    %mul3A_33 = arith.constant 0.845849335 : f32
    %mul3A_34 = vector.broadcast %mul3A_33 : f32 to vector<1000x128xf32>
    %mul3A_35 = arith.mulf %mul3A_34, %add3A_32 : vector<1000x128xf32>
    %get3A_36 = arith.constant 0 : index
    %get3A_37 = arith.constant 0 : index
    %get3A_38 = vector.load %arg5[%get3A_36, %get3A_37] : memref<128x128xf32, #tpu.memory_space<vmem>>, vector<128x128xf32>
    %dot_general3A = arith.constant dense<0.000000e+00> : vector<1000x128xf32>
    %dot_general3A_39 = tpu.matmul %add3A_32, %get3A_38, %dot_general3A {dimension_numbers = #tpu.dot_dimension_numbers<[1], [0], [0], [1], [0, 0, 1, 1], [], []>, transpose_lhs_hint = false} : vector<1000x128xf32>, vector<128x128xf32>, vector<1000x128xf32> -> vector<1000x128xf32>
    %mul3A_40 = arith.constant 0.15415068 : f32
    %mul3A_41 = vector.broadcast %mul3A_40 : f32 to vector<1000x128xf32>
    %mul3A_42 = arith.mulf %mul3A_41, %dot_general3A_39 : vector<1000x128xf32>
    %add3A_43 = arith.addf %mul3A_35, %mul3A_42 : vector<1000x128xf32>
    %swap3A = arith.constant 0 : index
    %swap3A_44 = arith.constant 0 : index
    %swap3A_45 = vector.load %arg6[%swap3A, %swap3A_44] : memref<1000x128xf32, #tpu.memory_space<vmem>>, vector<1000x128xf32>
    tpu.vector_store %arg6[%swap3A, %swap3A_44], %add3A_43 {strides = array<i32>} : memref<1000x128xf32, #tpu.memory_space<vmem>>, vector<1000x128xf32>,
    return
  }
  func.func @transform_0(%arg0: i32) -> (i32, i32, i32) {
    %c0_i32 = arith.constant 0 : i32
    %c0_i32_0 = arith.constant 0 : i32
    %c0_i32_1 = arith.constant 0 : i32
    return %arg0, %c0_i32, %c0_i32_0 : i32, i32, i32
  }
  func.func @transform_1(%arg0: i32) -> (i32, i32, i32) {
    %c0_i32 = arith.constant 0 : i32
    %c0_i32_0 = arith.constant 0 : i32
    %c0_i32_1 = arith.constant 0 : i32
    return %c0_i32, %arg0, %c0_i32_0 : i32, i32, i32
  }
  func.func @transform_2(%arg0: i32) -> (i32, i32) {
    %c0_i32 = arith.constant 0 : i32
    %c0_i32_0 = arith.constant 0 : i32
    return %arg0, %c0_i32 : i32, i32
  }
  func.func @transform_3(%arg0: i32) -> (i32, i32) {
    %c0_i32 = arith.constant 0 : i32
    %c0_i32_0 = arith.constant 0 : i32
    return %arg0, %c0_i32 : i32, i32
  }
  func.func @transform_4(%arg0: i32) -> (i32, i32) {
    %c0_i32 = arith.constant 0 : i32
    %c0_i32_0 = arith.constant 0 : i32
    %c0_i32_1 = arith.constant 0 : i32
    return %c0_i32, %c0_i32_0 : i32, i32
  }
  func.func @transform_5(%arg0: i32) -> (i32, i32) {
    %c0_i32 = arith.constant 0 : i32
    %c0_i32_0 = arith.constant 0 : i32
    return %arg0, %c0_i32 : i32, i32
  }
}

</mosaic_0001>

<sc_bundles>
// kernel: kernel.6.cloned.1.call-start
scs
__scs_entry_jumppad:
0x0: {  	(pc) =	sbr.rel $0x88, $3  }
0x1: {  	(tag) =	ssettag $0x0;
	lr =	simm.s32 $0x1  }
0x2: {  	[smem:$0x3F9D] =	sst lr;
	_ =	strace $0xD0000000  }
0x3: {  	_ = 	snop  }
0x4: {  	_ = 	snop  }
0x5: {  	_ = 	snop  }
0x6: {  	_ = 	snop  }
0x7: {  	_ = 	snop  }
__scs_overlays_trampoline_lowered:
0x8: {  	[smem:$0x3FAC] =	sst s0  }
0x9: {  	[smem:$0x3FAD] =	sst s1  }
0xa: {  	[smem:$0x3FAE] =	sst s2  }
0xb: {  	[smem:$0x3FAF] =	sst s3  }
0xc: {  	[smem:$0x3FB0] =	sst s4  }
0xd: {  	[smem:$0x3FB1] =	sst s5  }
0xe: {  	[smem:$0x3FB2] =	sst s6  }
0xf: {  	[smem:$0x3FB3] =	sst s7  }
0x10: {  	[smem:$0x3FB4] =	sst s8  }
0x11: {  	[smem:$0x3FB5] =	sst s9;
	s0 =	simm.s32 @!p0 $0x0  }
0x12: {  	s1 =	sld [smem:$0x3F9B];
	s0 =	simm.s32 @p0 $0x1  }
0x13: {  	[smem:$0x3FB6] =	sst s0;
	s0 =	simm.s32 @!p1 $0x0  }
0x14: {  	s2 =	sld [smem:$0x3F9A];
	s0 =	simm.s32 @p1 $0x1  }
0x15: {  	[smem:$0x3FB7] =	sst s0;
	s0 =	simm.s32 @!p2 $0x0  }
0x16: {  	s3 =	sld [smem:$0x3FDB];
	s0 =	simm.s32 @p2 $0x1  }
0x17: {  	s4 =	simm.s32 $0x1BF5;
	[smem:$0x3FB9] =	sst s0  }
0x18: {  	s0 =	sld [smem:$0x3F9C];
	_ =	swait.ge [sflag:s4], $0x0  }
0x19: {  	s7 =	sld [smem:$0x3F9D]  }
0x1a: {  	s8 =	sadd.s32 $0xFFFFE003, lr  }
0x1b: {  	s9 =	sadd.s32 $0xFFFFFEF7, lr;
	s5 =	simm.s32 $0xFFFFFFFF;
	p2 =	slt.u32 s8, $0xFFFFF086  }
0x1c: {  	p1 =	slt.u32 s9, $0xF7A;
	s5 =	simm.s32 @!p2 $0x0  }
0x1d: {  	s5 =	simm.s32 @p1 $0x1;
	p0 =	seq.s32 s7, s2  }
0x1e: {  	s7 =	smul.u32 @!p0 $0xF7A, s2;
	p2 =	seq.s32 @!p0 s5, $0x0  }
0x1f: {  	s9 =	smul.u32 $0xF7A, s1;
	s8 =	simm.s32 @!p0 $0x1BF5;
	p2 =	por !p2, p0  }
0x20: {  	[sflag:s8] =	ssyncset.s32 @!p0 $0xFFFFF086;
	s6 =	sadd.s32 @!p0 s3, s7;
	s7 =	simm.s32 @!p0 $0x108  }
0x21: {  	s3 =	sadd.s32 s3, s9;
	s6 =	sadd.s32 @!p0 $0x88, s6;
	s7 =	simm.s32 @p2 $0x1082  }
0x22: {  	[simem:s7], [sflag:s8] =	dma.local @!p0 [hbm:s6], $0xF7A  }
0x23: {  	s9 =	sor.u32 $0xD0000000, s2;
	s6 =	simm.s32 $0x108;
	_ =	swait.ge @!p0 [sflag:s8], $0x0  }
0x24: {  	s3 =	sadd.s32 $0x88, s3;
	s6 =	simm.s32 @!p1 $0x1082;
	[sflag:s4] =	ssyncset.s32 $0xFFFFF086  }
0x25: {  	[simem:s6], [sflag:s4] =	dma.local [hbm:s3], $0xF7A  }
0x26: {  	[smem:$0x3F9D] =	sst s1;
	(tag) =	ssettag s2;
	_ =	strace s9  }
0x27: {  	s1 =	sld [smem:$0x3FAD]  }
0x28: {  	s2 =	sld [smem:$0x3FAE]  }
0x29: {  	s4 =	sld [smem:$0x3FB0]  }
0x2a: {  	p0 =	seq.s32 s5, $0x0;
	s5 =	sld [smem:$0x3FB1]  }
0x2b: {  	s6 =	sld [smem:$0x3FB2]  }
0x2c: {  	s7 =	sld [smem:$0x3FB3]  }
0x2d: {  	s3 =	simm.s32 $0x108;
	s8 =	sld [smem:$0x3FB4]  }
0x2e: {  	s3 =	simm.s32 @!p0 $0x1082;
	s9 =	sld [smem:$0x3FB5]  }
0x2f: {  	lr =	sadd.s32 s0, s3;
	s0 =	sld [smem:$0x3FAC]  }
0x30: {  	s3 =	sld [smem:$0x3FAF]  }
0x31: {  	[smem:$0x3FB8] =	sst s10  }
0x32: {  	s10 =	sld [smem:$0x3FB6];
	_ =	sdelay $0x3  }
0x33: {  	p0 =	seq.s32 s10, $0x1;
	s10 =	sld [smem:$0x3FB8];
	_ =	sdelay $0x3  }
0x34: {  	[smem:$0x3FB8] =	sst s10  }
0x35: {  	s10 =	sld [smem:$0x3FB7];
	_ =	sdelay $0x3  }
0x36: {  	p1 =	seq.s32 s10, $0x1;
	s10 =	sld [smem:$0x3FB8];
	_ =	sdelay $0x3  }
0x37: {  	[smem:$0x3FB8] =	sst s10  }
0x38: {  	s10 =	sld [smem:$0x3FB9]  }
0x39: {  	_ = 	snop;
	(pc) =	sbr.ind lr, $3  }
0x3a: {  	_ = 	snop  }
0x3b: {  	_ = 	snop  }
0x3c: {  	p2 =	seq.s32 s10, $0x1;
	s10 =	sld [smem:$0x3FB8]  }
0x3d: {  	_ =	shalt  }
0x3e: {  	_ =	shalt  }
0x3f: {  	_ =	shalt  }
0x40: {  	_ =	shalt  }
0x41: {  	_ =	shalt  }
0x42: {  	_ =	shalt  }
0x43: {  	_ =	shalt  }
0x44: {  	_ =	shalt  }
0x45: {  	_ =	shalt  }
0x46: {  	_ =	shalt  }
0x47: {  	_ =	shalt  }
0x48: {  	_ =	shalt  }
0x49: {  	_ =	shalt  }
0x4a: {  	_ =	shalt  }
0x4b: {  	_ =	shalt  }
0x4c: {  	_ =	shalt  }
0x4d: {  	_ =	shalt  }
0x4e: {  	_ =	shalt  }
0x4f: {  	_ =	shalt  }
0x50: {  	_ =	shalt  }
0x51: {  	_ =	shalt  }
0x52: {  	_ =	shalt  }
0x53: {  	_ =	shalt  }
0x54: {  	_ =	shalt  }
0x55: {  	_ =	shalt  }
0x56: {  	_ =	shalt  }
0x57: {  	_ =	shalt  }
0x58: {  	_ =	shalt  }
0x59: {  	_ =	shalt  }
0x5a: {  	_ =	shalt  }
0x5b: {  	_ =	shalt  }
0x5c: {  	_ =	shalt  }
0x5d: {  	_ =	shalt  }
0x5e: {  	_ =	shalt  }
0x5f: {  	_ =	shalt  }
0x60: {  	_ =	shalt  }
0x61: {  	_ =	shalt  }
0x62: {  	_ =	shalt  }
0x63: {  	_ =	shalt  }
0x64: {  	_ =	shalt  }
0x65: {  	_ =	shalt  }
0x66: {  	_ =	shalt  }
0x67: {  	_ =	shalt  }
0x68: {  	_ =	shalt  }
0x69: {  	_ =	shalt  }
0x6a: {  	_ =	shalt  }
0x6b: {  	_ =	shalt  }
0x6c: {  	_ =	shalt  }
0x6d: {  	_ =	shalt  }
0x6e: {  	_ =	shalt  }
0x6f: {  	_ =	shalt  }
0x70: {  	_ =	shalt  }
0x71: {  	_ =	shalt  }
0x72: {  	_ =	shalt  }
0x73: {  	_ =	shalt  }
0x74: {  	_ =	shalt  }
0x75: {  	_ =	shalt  }
0x76: {  	_ =	shalt  }
0x77: {  	_ =	shalt  }
0x78: {  	_ =	shalt  }
0x79: {  	_ =	shalt  }
0x7a: {  	_ =	shalt  }
0x7b: {  	_ =	shalt  }
0x7c: {  	_ =	shalt  }
0x7d: {  	_ =	shalt  }
0x7e: {  	_ =	shalt  }
0x7f: {  	_ =	shalt  }
0x80: {  	_ =	shalt  }
0x81: {  	_ =	shalt  }
0x82: {  	_ =	shalt  }
0x83: {  	_ =	shalt  }
0x84: {  	_ =	shalt  }
0x85: {  	_ =	shalt  }
0x86: {  	_ =	shalt  }
0x87: {  	_ =	shalt  }
.Lfunc_end0:
.L_simem_size_0:
called_computation_lowered:
.L_overlay_start_0:
0x88: {  	s2 =	sld [smem:$0x3FD9]  }
0x89: {  	s3 =	sld [smem:$0x3FFE];
	_ =	sdelay $0x1  }
0x8a: {  	s1 =	srdreg.scid  }
0x8b: {  	s0 =	sand.u32 $0x1, s1  }
0x8c: {  	s17 =	sshll.u32 s0, $0xA;
	s2 =	sadd.s32 s3, s2  }
0x8d: {  	s2 =	sadd.s32 s2, s17  }
0x8e: {  	[smem:$0x3FC4] =	sst s2  }
0x8f: {  	_ = 	snop  }
0x90: {  	s2 =	sld [smem:$0x3FD0];
	(tm) =	ssettm $0x1  }
0x91: {  	s18 =	sld [smem:$0x3FFB];
	_ =	sdelay $0x3  }
0x92: {  	_ =	strace s18  }
0x93: {  	s3 =	sld [smem:$0x3FFC];
	_ =	sdelay $0x3  }
0x94: {  	_ =	strace s3  }
0x95: {  	s3 =	sld [smem:$0x3FFD];
	_ =	sdelay $0x3  }
0x96: {  	_ =	strace s3  }
0x97: {  	_ =	strace $0x8FFFFFFF  }
0x98: {  	s19 =	sld [smem:$0x3FDB];
	_ =	sdelay $0x1  }
0x99: {  	s4 =	simm.s32 $_scs_section_size  }
0x9a: {  	s5 =	simm.s32 $_size__tile_overlayer_lowered;
	s6 =	simm.s32 $_tile_overlayer_lowered  }
0x9b: {  	s22 =	simm.s32 $0x1BFF;
	s21 =	sshll.u32 s6, $0x1;
	s3 =	sadd.s32 s4, s19  }
0x9c: {  	s7 =	simm.s32 $0x0;
	s20 =	sshll.u32 s5, $0x1;
	s5 =	sadd.s32 s21, s3  }
0x9d: {  	[timem:s7], [sflag:s22] =	dma.local [hbm:s5], s20  }
0x9e: {  	_ =	swait.ge [sflag:s22], s20  }
0x9f: {  	s4 =	ssub.s32 $0x0, s20;
	[sflag:s22] =	ssyncset.done $0x0  }
0xa0: {  	[sflag:s22] =	ssyncadd.s32 s4;
	_ =	sdelay $0x1  }
0xa1: {  	s23 =	simm.s32 $0x1B8B  }
0xa2: {  	_ =	swait.ge [sflag:s23], $0x1  }
0xa3: {  	[sflag:s23] =	ssyncset.done $0x0  }
0xa4: {  	s25 =	simm.s32 $0x1B8E;
	s24 =	sld [smem:$0x3FFE];
	[sflag:s23] =	ssyncadd.s32 $0xFFFFFFFF  }
0xa5: {  	s26 =	simm.s32 $execute0_lowered;
	[smem:$0x3FD2] =	sst s25  }
0xa6: {  	s5 =	sshll.u32 s26, $0x1;
	_ =	strace $0x80000046;
	[dreg:$0x1] =	wrdreg $0xFFFFFFFF  }
0xa7: {  	s28 =	simm.s32 $_size_execute0_lowered;
	s3 =	sadd.s32 s3, s5;
	[dreg:$0x0] =	wrdreg $0x0  }
0xa8: {  	s5 =	sshll.u32 s28, $0x1;
	[dreg:$0x2] =	wrdreg s3  }
0xa9: {  	[dreg:$0x3] =	wrdreg s5  }
0xaa: {  	[dreg:$0x4] =	wrdreg $0xC0  }
0xab: {  	_ =	task [dreg:s7], $0x5FFFF  }
0xac: {  	[dreg:$0x1] =	wrdreg $0xFFFFFFFF  }
0xad: {  	[dreg:$0x0] =	wrdreg $0x60  }
0xae: {  	[dreg:$0x2] =	wrdreg s24  }
0xaf: {  	[dreg:$0x3] =	wrdreg s2  }
0xb0: {  	[dreg:$0x4] =	wrdreg $0x9  }
0xb1: {  	_ =	task.clear_ibuf [dreg:s7], $0x5FFFF;
	_ =	strace $0x90000046  }
0xb2: {  	s29 =	simm.s32 $0x9;
	_ =	strace $0x80000048  }
0xb3: {  	_ =	swait.ge [sflag:s29], $0x1  }
0xb4: {  	[sflag:s29] =	ssyncadd.s32 $0xFFFFFFFF  }
0xb5: {  	_ =	strace $0x90000048  }
0xb6: {  	_ =	sfence  }
0xb7: {  	s30 =	sld [smem:$0x0];
	_ =	sdelay $0x2  }
0xb8: {  	s31 =	sshll.u32 s1, $0xD;
	s1 =	sshrl.u32 s1, $0x2  }
0xb9: {  	s3 =	sand.u32 $0x4000, s31;
	s1 =	sadd.s32 s1, s30  }
0xba: {  	s0 =	sor.u32 s3, s0;
	s1 =	sshll.u32 s1, $0x11  }
0xbb: {  	s0 =	sor.u32 s1, s0  }
0xbc: {  	s0 =	sadd.s32 $0x8F2B, s0  }
0xbd: {  	[sflag:s0] =	ssyncadd.remote.s32 $0x1  }
0xbe: {  	_ =	sfence.sel $0xFFFF  }
0xbf: {  	[dreg:$0x0] =	wrdreg $0xFFFFFFFF;
	(pc) =	sbr.abs _section_cstart, $3  }
0xc0: {  	[dreg:$0x1] =	wrdreg $0xFFFFFFFF  }
0xc1: {  	_ =	task.clear_ibuf [dreg:s7], $0x2FFFF;
	_ =	strace $0x9FFFFFFF  }
0xc2: {  	(tm) =	ssettm $0x7FFFFFFF  }
0xc3: {  	_ =	shalt  }
tec
execute0_lowered:
.L_overlay_start_1:
0x0: {  	(tag) =	ssettag $0x1  }
0x1: {  	s1 =	srdreg.scid;
	s0 =	stileid.u32  }
0x2: {  	s4 =	rddreg [dreg:$0x0];
	s3 =	sand.u32 $0x1, s1;
	s30 =	sshll.u32 s0, $0x1  }
0x3: {  	s5 =	rddreg [dreg:$0x1];
	s2 =	simm.s32 $0x0;
	s1 =	sor.u32 s3, s30  }
0x4: {  	[smem:$0x7FF] =	sst s2;
	s3 =	ssub.s32 $0x2, s3;
	s6 =	smul.u32 $0x2710, s1  }
0x5: {  	s8 =	simm.s32 $0x0;
	s1 =	rddreg [dreg:$0x2];
	s7 =	sshrl.u32 s3, $0x1  }
0x6: {  	_ =	strace $0x80000047;
	s7 =	ssub.s32 s3, s7;
	s6 =	sshrl.u32 s6, $0x3  }
0x7: {  	s31 =	sadd.s32 s4, s6;
	s4 =	sadd.s32 s5, s6;
	s5 =	smax.u32 s7, $0x1  }
0x8: {  	v0 =	vimm.f32 $0.0e+00;
	v1 =	vimm.f32 $1.000000000e+00;
	s6 =	simm.s32 $0x1;
	s7 =	simm.s32 $0x2780;
	s3 =	sadd.s32 $0xBC40, s31  }
.LBB2_1:
0x9: {  	s9 =	simm.s32 $0x27C0  }
0xa: {  	[tilespmem:s9+$0xFFFFFFC0] =	vst v0  }
0xb: {  	[tilespmem:s9+$0x30] =	vst v0  }
0xc: {  	[tilespmem:s9+$0x20] =	vst v0  }
0xd: {  	[tilespmem:s9+$0x10] =	vst v0  }
0xe: {  	[tilespmem:s9+$0x0] =	vst v0  }
0xf: {  	[tilespmem:s9+$0xFFFFFFF0] =	vst v0  }
0x10: {  	s10 =	simm.s32 $0x0;
	[tilespmem:s9+$0xFFFFFFE0] =	vst v0  }
.LBB2_2:
0x11: {  	s10 =	sadd.s32 $0x8, s10;
	[tilespmem:s9+$0xFFFFFFD0] =	vst v0;
	s9 =	sadd.s32 $0x80, s9  }
0x12: {  	[tilespmem:s9+$0xFFFFFFC0] =	vst v0;
	p0 =	slt.u32 s10, $0x268  }
0x13: {  	[tilespmem:s9+$0x30] =	vst v0  }
.Ltmp0:
0x14: {  	[tilespmem:s9+$0x20] =	vst v0;
	(pc) =	sbr.rel @p0 .LBB2_2-.Ltmp0, $4  }
0x15: {  	[tilespmem:s9+$0x10] =	vst v0  }
0x16: {  	[tilespmem:s9+$0x0] =	vst v0  }
0x17: {  	[tilespmem:s9+$0xFFFFFFF0] =	vst v0  }
0x18: {  	[tilespmem:s9+$0xFFFFFFE0] =	vst v0  }
0x19: {  	[tilespmem:s9+$0xFFFFFFD0] =	vst v0  }
0x1a: {  	[tilespmem:$0x4E80] =	vst v0  }
0x1b: {  	[tilespmem:s2], [sflag:$0x1] =	stream.linear.gather [hbm4b:s3+s2], $0x2710, $0x38;
	[tilespmem:$0x4F00] =	vst v63  }
0x1c: {  	_ =	swait.ge [sflag:s6], $0x2710  }
0x1d: {  	[sflag:s6] =	ssyncset.done $0x0  }
0x1e: {  	s9 =	simm.s32 $0xFFFFFFF8;
	s10 =	simm.s32 $0x40;
	[sflag:s6] =	ssyncadd.s32 $0xFFFFD8F0  }
.LBB2_4:
0x1f: {  	v2 =	vld [tilespmem:s10+$0xFFFFFFC0];
	_ =	sdelay $0x7  }
0x20: {  	[tilespmem:v2+s7+$0x0] =	vst.idx.add.f32.msk $0xffff, v1  }
0x21: {  	v2 =	vld [tilespmem:s10+$0xFFFFFFD0];
	_ =	sdelay $0x7  }
0x22: {  	[tilespmem:v2+s7+$0x0] =	vst.idx.add.f32.msk $0xffff, v1  }
0x23: {  	v2 =	vld [tilespmem:s10+$0xFFFFFFE0];
	_ =	sdelay $0x7  }
0x24: {  	[tilespmem:v2+s7+$0x0] =	vst.idx.add.f32.msk $0xffff, v1  }
0x25: {  	v2 =	vld [tilespmem:s10+$0xFFFFFFF0];
	_ =	sdelay $0x7  }
0x26: {  	[tilespmem:v2+s7+$0x0] =	vst.idx.add.f32.msk $0xffff, v1  }
0x27: {  	v2 =	vld [tilespmem:s10+$0x0];
	_ =	sdelay $0x7  }
0x28: {  	[tilespmem:v2+s7+$0x0] =	vst.idx.add.f32.msk $0xffff, v1  }
0x29: {  	v2 =	vld [tilespmem:s10+$0x10];
	_ =	sdelay $0x7  }
0x2a: {  	[tilespmem:v2+s7+$0x0] =	vst.idx.add.f32.msk $0xffff, v1  }
0x2b: {  	v2 =	vld [tilespmem:s10+$0x20];
	_ =	sdelay $0x7  }
0x2c: {  	[tilespmem:v2+s7+$0x0] =	vst.idx.add.f32.msk $0xffff, v1  }
0x2d: {  	v2 =	vld [tilespmem:s10+$0x30];
	_ =	sdelay $0x1  }
0x2e: {  	s9 =	sadd.s32 $0x8, s9  }
0x2f: {  	p0 =	slt.u32 s9, $0x268  }
.Ltmp1:
0x30: {  	_ = 	snop;
	(pc) =	sbr.rel @p0 .LBB2_4-.Ltmp1, $2  }
0x31: {  	_ =	sdelay $0x2  }
0x32: {  	s10 =	sadd.s32 $0x80, s10;
	[tilespmem:v2+s7+$0x0] =	vst.idx.add.f32.msk $0xffff, v1  }
0x33: {  	v2 =	vld [tilespmem:$0x2700];
	_ =	sdelay $0x5  }
0x34: {  	s8 =	sadd.s32 $0x1, s8  }
0x35: {  	p0 =	sne.s32 s8, s5  }
.Ltmp2:
0x36: {  	[tilespmem:v2+s7+$0x0] =	vst.idx.add.f32.msk $0xffff, v1;
	(pc) =	sbr.rel @p0 .LBB2_1-.Ltmp2, $4  }
0x37: {  	[hbm4b:s4+s2] =	stream.linear.scatter [tilespmem:s7], [sflag:$0x1], $0x2710, $0x38;
	[tilespmem:$0x4F00] =	vst v63  }
0x38: {  	_ =	swait.ge [sflag:s6], $0x2710  }
0x39: {  	[sflag:s6] =	ssyncset.done $0x0  }
0x3a: {  	[sflag:s6] =	ssyncadd.s32 $0xFFFFD8F0  }
0x3b: {  	_ =	sfence.sel $0x180000  }
0x3c: {  	[bflag:$0x0] =	sbarrier.arrive $0xFFFF  }
0x3d: {  	p0 =	sne.s32 s0, $0x0;
	_ =	strace $0x90000047  }
0x3e: {  	s0 =	sadd.s32 @!p0 $0x100000, s1;
	[bflag:$0x2] =	sbarrier.arrive $0xFFFF  }
0x3f: {  	[sflag:s0] =	ssyncadd.tile.s32 @!p0 $0x1;
	_ =	shalt  }
.Lfunc_end2:
_tile_overlayer_lowered:
.L_overlay_start_2:
0x40: {  	(tag) =	ssettag $0x2  }
0x41: {  	s0 =	rddreg [dreg:$0x0];
	s2 =	stileid.u32  }
0x42: {  	s1 =	rddreg [dreg:$0x1];
	p0 =	sne.s32 s2, $0x0  }
0x43: {  	s3 =	rddreg [dreg:$0x2];
	[bflag:$0x3] =	sbarrier.arrive $0xFFFF;
	s2 =	simm.s32 @!p0 $0x1C01  }
0x44: {  	[timem:s3], [sflag:s2] =	dma.local @!p0 [hbm:s0], s1  }
0x45: {  	s0 =	simm.s32 @!p0 $0x1  }
0x46: {  	_ =	swait.ge @!p0 [sflag:s0], s1  }
0x47: {  	s1 =	ssub.s32 @!p0 $0x0, s1;
	[sflag:s0] =	ssyncset.done @!p0 $0x0  }
0x48: {  	[sflag:s0] =	ssyncadd.s32 @!p0 s1  }
0x49: {  	[bflag:$0x3] =	sbarrier.arrive $0xFFFF  }
0x4a: {  	_ =	shalt  }

// kernel: kernel.9.cloned.1.call-start
scs
__scs_entry_jumppad:
0x0: {  	(pc) =	sbr.rel $0x88, $3  }
0x1: {  	(tag) =	ssettag $0x0;
	lr =	simm.s32 $0x1  }
0x2: {  	[smem:$0x3F9D] =	sst lr;
	_ =	strace $0xD0000000  }
0x3: {  	_ = 	snop  }
0x4: {  	_ = 	snop  }
0x5: {  	_ = 	snop  }
0x6: {  	_ = 	snop  }
0x7: {  	_ = 	snop  }
__scs_overlays_trampoline_lowered:
0x8: {  	[smem:$0x3FAC] =	sst s0  }
0x9: {  	[smem:$0x3FAD] =	sst s1  }
0xa: {  	[smem:$0x3FAE] =	sst s2  }
0xb: {  	[smem:$0x3FAF] =	sst s3  }
0xc: {  	[smem:$0x3FB0] =	sst s4  }
0xd: {  	[smem:$0x3FB1] =	sst s5  }
0xe: {  	[smem:$0x3FB2] =	sst s6  }
0xf: {  	[smem:$0x3FB3] =	sst s7  }
0x10: {  	[smem:$0x3FB4] =	sst s8  }
0x11: {  	[smem:$0x3FB5] =	sst s9;
	s0 =	simm.s32 @!p0 $0x0  }
0x12: {  	s1 =	sld [smem:$0x3F9B];
	s0 =	simm.s32 @p0 $0x1  }
0x13: {  	[smem:$0x3FB6] =	sst s0;
	s0 =	simm.s32 @!p1 $0x0  }
0x14: {  	s2 =	sld [smem:$0x3F9A];
	s0 =	simm.s32 @p1 $0x1  }
0x15: {  	[smem:$0x3FB7] =	sst s0;
	s0 =	simm.s32 @!p2 $0x0  }
0x16: {  	s3 =	sld [smem:$0x3FDB];
	s0 =	simm.s32 @p2 $0x1  }
0x17: {  	s4 =	simm.s32 $0x1BF5;
	[smem:$0x3FB9] =	sst s0  }
0x18: {  	s0 =	sld [smem:$0x3F9C];
	_ =	swait.ge [sflag:s4], $0x0  }
0x19: {  	s7 =	sld [smem:$0x3F9D]  }
0x1a: {  	s8 =	sadd.s32 $0xFFFFE003, lr  }
0x1b: {  	s9 =	sadd.s32 $0xFFFFFEF7, lr;
	s5 =	simm.s32 $0xFFFFFFFF;
	p2 =	slt.u32 s8, $0xFFFFF086  }
0x1c: {  	p1 =	slt.u32 s9, $0xF7A;
	s5 =	simm.s32 @!p2 $0x0  }
0x1d: {  	s5 =	simm.s32 @p1 $0x1;
	p0 =	seq.s32 s7, s2  }
0x1e: {  	s7 =	smul.u32 @!p0 $0xF7A, s2;
	p2 =	seq.s32 @!p0 s5, $0x0  }
0x1f: {  	s9 =	smul.u32 $0xF7A, s1;
	s8 =	simm.s32 @!p0 $0x1BF5;
	p2 =	por !p2, p0  }
0x20: {  	[sflag:s8] =	ssyncset.s32 @!p0 $0xFFFFF086;
	s6 =	sadd.s32 @!p0 s3, s7;
	s7 =	simm.s32 @!p0 $0x108  }
0x21: {  	s3 =	sadd.s32 s3, s9;
	s6 =	sadd.s32 @!p0 $0x88, s6;
	s7 =	simm.s32 @p2 $0x1082  }
0x22: {  	[simem:s7], [sflag:s8] =	dma.local @!p0 [hbm:s6], $0xF7A  }
0x23: {  	s9 =	sor.u32 $0xD0000000, s2;
	s6 =	simm.s32 $0x108;
	_ =	swait.ge @!p0 [sflag:s8], $0x0  }
0x24: {  	s3 =	sadd.s32 $0x88, s3;
	s6 =	simm.s32 @!p1 $0x1082;
	[sflag:s4] =	ssyncset.s32 $0xFFFFF086  }
0x25: {  	[simem:s6], [sflag:s4] =	dma.local [hbm:s3], $0xF7A  }
0x26: {  	[smem:$0x3F9D] =	sst s1;
	(tag) =	ssettag s2;
	_ =	strace s9  }
0x27: {  	s1 =	sld [smem:$0x3FAD]  }
0x28: {  	s2 =	sld [smem:$0x3FAE]  }
0x29: {  	s4 =	sld [smem:$0x3FB0]  }
0x2a: {  	p0 =	seq.s32 s5, $0x0;
	s5 =	sld [smem:$0x3FB1]  }
0x2b: {  	s6 =	sld [smem:$0x3FB2]  }
0x2c: {  	s7 =	sld [smem:$0x3FB3]  }
0x2d: {  	s3 =	simm.s32 $0x108;
	s8 =	sld [smem:$0x3FB4]  }
0x2e: {  	s3 =	simm.s32 @!p0 $0x1082;
	s9 =	sld [smem:$0x3FB5]  }
0x2f: {  	lr =	sadd.s32 s0, s3;
	s0 =	sld [smem:$0x3FAC]  }
0x30: {  	s3 =	sld [smem:$0x3FAF]  }
0x31: {  	[smem:$0x3FB8] =	sst s10  }
0x32: {  	s10 =	sld [smem:$0x3FB6];
	_ =	sdelay $0x3  }
0x33: {  	p0 =	seq.s32 s10, $0x1;
	s10 =	sld [smem:$0x3FB8];
	_ =	sdelay $0x3  }
0x34: {  	[smem:$0x3FB8] =	sst s10  }
0x35: {  	s10 =	sld [smem:$0x3FB7];
	_ =	sdelay $0x3  }
0x36: {  	p1 =	seq.s32 s10, $0x1;
	s10 =	sld [smem:$0x3FB8];
	_ =	sdelay $0x3  }
0x37: {  	[smem:$0x3FB8] =	sst s10  }
0x38: {  	s10 =	sld [smem:$0x3FB9]  }
0x39: {  	_ = 	snop;
	(pc) =	sbr.ind lr, $3  }
0x3a: {  	_ = 	snop  }
0x3b: {  	_ = 	snop  }
0x3c: {  	p2 =	seq.s32 s10, $0x1;
	s10 =	sld [smem:$0x3FB8]  }
0x3d: {  	_ =	shalt  }
0x3e: {  	_ =	shalt  }
0x3f: {  	_ =	shalt  }
0x40: {  	_ =	shalt  }
0x41: {  	_ =	shalt  }
0x42: {  	_ =	shalt  }
0x43: {  	_ =	shalt  }
0x44: {  	_ =	shalt  }
0x45: {  	_ =	shalt  }
0x46: {  	_ =	shalt  }
0x47: {  	_ =	shalt  }
0x48: {  	_ =	shalt  }
0x49: {  	_ =	shalt  }
0x4a: {  	_ =	shalt  }
0x4b: {  	_ =	shalt  }
0x4c: {  	_ =	shalt  }
0x4d: {  	_ =	shalt  }
0x4e: {  	_ =	shalt  }
0x4f: {  	_ =	shalt  }
0x50: {  	_ =	shalt  }
0x51: {  	_ =	shalt  }
0x52: {  	_ =	shalt  }
0x53: {  	_ =	shalt  }
0x54: {  	_ =	shalt  }
0x55: {  	_ =	shalt  }
0x56: {  	_ =	shalt  }
0x57: {  	_ =	shalt  }
0x58: {  	_ =	shalt  }
0x59: {  	_ =	shalt  }
0x5a: {  	_ =	shalt  }
0x5b: {  	_ =	shalt  }
0x5c: {  	_ =	shalt  }
0x5d: {  	_ =	shalt  }
0x5e: {  	_ =	shalt  }
0x5f: {  	_ =	shalt  }
0x60: {  	_ =	shalt  }
0x61: {  	_ =	shalt  }
0x62: {  	_ =	shalt  }
0x63: {  	_ =	shalt  }
0x64: {  	_ =	shalt  }
0x65: {  	_ =	shalt  }
0x66: {  	_ =	shalt  }
0x67: {  	_ =	shalt  }
0x68: {  	_ =	shalt  }
0x69: {  	_ =	shalt  }
0x6a: {  	_ =	shalt  }
0x6b: {  	_ =	shalt  }
0x6c: {  	_ =	shalt  }
0x6d: {  	_ =	shalt  }
0x6e: {  	_ =	shalt  }
0x6f: {  	_ =	shalt  }
0x70: {  	_ =	shalt  }
0x71: {  	_ =	shalt  }
0x72: {  	_ =	shalt  }
0x73: {  	_ =	shalt  }
0x74: {  	_ =	shalt  }
0x75: {  	_ =	shalt  }
0x76: {  	_ =	shalt  }
0x77: {  	_ =	shalt  }
0x78: {  	_ =	shalt  }
0x79: {  	_ =	shalt  }
0x7a: {  	_ =	shalt  }
0x7b: {  	_ =	shalt  }
0x7c: {  	_ =	shalt  }
0x7d: {  	_ =	shalt  }
0x7e: {  	_ =	shalt  }
0x7f: {  	_ =	shalt  }
0x80: {  	_ =	shalt  }
0x81: {  	_ =	shalt  }
0x82: {  	_ =	shalt  }
0x83: {  	_ =	shalt  }
0x84: {  	_ =	shalt  }
0x85: {  	_ =	shalt  }
0x86: {  	_ =	shalt  }
0x87: {  	_ =	shalt  }
.Lfunc_end0:
.L_simem_size_0:
called_computation.1_lowered:
.L_overlay_start_0:
0x88: {  	s2 =	sld [smem:$0x3FD9]  }
0x89: {  	s3 =	sld [smem:$0x3FFE];
	_ =	sdelay $0x1  }
0x8a: {  	s1 =	srdreg.scid  }
0x8b: {  	s0 =	sand.u32 $0x1, s1  }
0x8c: {  	s17 =	sshll.u32 s0, $0xA;
	s2 =	sadd.s32 s3, s2  }
0x8d: {  	s2 =	sadd.s32 s2, s17  }
0x8e: {  	[smem:$0x3FC4] =	sst s2  }
0x8f: {  	_ = 	snop  }
0x90: {  	s2 =	sld [smem:$0x3FD0];
	(tm) =	ssettm $0x1  }
0x91: {  	s18 =	sld [smem:$0x3FFB];
	_ =	sdelay $0x3  }
0x92: {  	_ =	strace s18  }
0x93: {  	s3 =	sld [smem:$0x3FFC];
	_ =	sdelay $0x3  }
0x94: {  	_ =	strace s3  }
0x95: {  	s3 =	sld [smem:$0x3FFD];
	_ =	sdelay $0x3  }
0x96: {  	_ =	strace s3  }
0x97: {  	_ =	strace $0x8FFFFFFF  }
0x98: {  	s19 =	sld [smem:$0x3FDB];
	_ =	sdelay $0x1  }
0x99: {  	s4 =	simm.s32 $_scs_section_size  }
0x9a: {  	s5 =	simm.s32 $_size__tile_overlayer_lowered;
	s6 =	simm.s32 $_tile_overlayer_lowered  }
0x9b: {  	s22 =	simm.s32 $0x1BFF;
	s21 =	sshll.u32 s6, $0x1;
	s3 =	sadd.s32 s4, s19  }
0x9c: {  	s7 =	simm.s32 $0x0;
	s20 =	sshll.u32 s5, $0x1;
	s5 =	sadd.s32 s21, s3  }
0x9d: {  	[timem:s7], [sflag:s22] =	dma.local [hbm:s5], s20  }
0x9e: {  	_ =	swait.ge [sflag:s22], s20  }
0x9f: {  	s4 =	ssub.s32 $0x0, s20;
	[sflag:s22] =	ssyncset.done $0x0  }
0xa0: {  	[sflag:s22] =	ssyncadd.s32 s4;
	_ =	sdelay $0x1  }
0xa1: {  	s23 =	simm.s32 $0x1B8B  }
0xa2: {  	_ =	swait.ge [sflag:s23], $0x1  }
0xa3: {  	[sflag:s23] =	ssyncset.done $0x0  }
0xa4: {  	s25 =	simm.s32 $0x1B8E;
	s24 =	sld [smem:$0x3FFE];
	[sflag:s23] =	ssyncadd.s32 $0xFFFFFFFF  }
0xa5: {  	s26 =	simm.s32 $execute0_lowered;
	[smem:$0x3FD2] =	sst s25  }
0xa6: {  	s5 =	sshll.u32 s26, $0x1;
	_ =	strace $0x80000049;
	[dreg:$0x1] =	wrdreg $0xFFFFFFFF  }
0xa7: {  	s28 =	simm.s32 $_size_execute0_lowered;
	s3 =	sadd.s32 s3, s5;
	[dreg:$0x0] =	wrdreg $0x0  }
0xa8: {  	s5 =	sshll.u32 s28, $0x1;
	[dreg:$0x2] =	wrdreg s3  }
0xa9: {  	[dreg:$0x3] =	wrdreg s5  }
0xaa: {  	[dreg:$0x4] =	wrdreg $0xC0  }
0xab: {  	_ =	task [dreg:s7], $0x5FFFF  }
0xac: {  	[dreg:$0x1] =	wrdreg $0xFFFFFFFF  }
0xad: {  	[dreg:$0x0] =	wrdreg $0x60  }
0xae: {  	[dreg:$0x2] =	wrdreg s24  }
0xaf: {  	[dreg:$0x3] =	wrdreg s2  }
0xb0: {  	[dreg:$0x4] =	wrdreg $0x0  }
0xb1: {  	[dreg:$0x5] =	wrdreg $0x9  }
0xb2: {  	_ =	task.clear_ibuf [dreg:s7], $0x6FFFF;
	_ =	strace $0x90000049  }
0xb3: {  	s29 =	simm.s32 $0x9;
	_ =	strace $0x8000004B  }
0xb4: {  	_ =	swait.ge [sflag:s29], $0x1  }
0xb5: {  	[sflag:s29] =	ssyncadd.s32 $0xFFFFFFFF  }
0xb6: {  	_ =	strace $0x9000004B  }
0xb7: {  	_ =	sfence  }
0xb8: {  	s30 =	sld [smem:$0x0];
	_ =	sdelay $0x2  }
0xb9: {  	s31 =	sshll.u32 s1, $0xD;
	s1 =	sshrl.u32 s1, $0x2  }
0xba: {  	s3 =	sand.u32 $0x4000, s31;
	s1 =	sadd.s32 s1, s30  }
0xbb: {  	s0 =	sor.u32 s3, s0;
	s1 =	sshll.u32 s1, $0x11  }
0xbc: {  	s0 =	sor.u32 s1, s0  }
0xbd: {  	s0 =	sadd.s32 $0x8F2B, s0  }
0xbe: {  	[sflag:s0] =	ssyncadd.remote.s32 $0x1  }
0xbf: {  	_ =	sfence.sel $0xFFFF  }
0xc0: {  	[dreg:$0x0] =	wrdreg $0xFFFFFFFF;
	(pc) =	sbr.abs _section_cstart, $3  }
0xc1: {  	[dreg:$0x1] =	wrdreg $0xFFFFFFFF  }
0xc2: {  	_ =	task.clear_ibuf [dreg:s7], $0x2FFFF;
	_ =	strace $0x9FFFFFFF  }
0xc3: {  	(tm) =	ssettm $0x7FFFFFFF  }
tec
execute0_lowered:
.L_overlay_start_1:
0x0: {  	(tag) =	ssettag $0x1  }
0x1: {  	s0 =	rddreg [dreg:$0x0]  }
0x2: {  	s1 =	rddreg [dreg:$0x1]  }
0x3: {  	s3 =	rddreg [dreg:$0x2];
	s10 =	stileid.u32  }
0x4: {  	s2 =	srdreg.scid;
	s4 =	simm.s32 $0x0;
	s7 =	smul.u32 $0x2800, s10  }
0x5: {  	s2 =	sand.u32 $0x1, s2;
	[smem:$0x7FF] =	sst s4;
	s25 =	smul.u32 $0x2710, s10  }
0x6: {  	s8 =	sadd.s32 $0x2000, s0;
	s5 =	smul.u32 $0x138800, s2;
	s6 =	sshll.u32 s2, $0x4  }
0x7: {  	s16 =	ssub.s32 $0x2, s2;
	s2 =	smul.u32 $0x27100, s2;
	s6 =	sor.u32 s10, s6  }
0x8: {  	_ =	strace $0x8000004A;
	s9 =	sshrl.u32 s16, $0x1;
	s6 =	smul.u32 $0x2710, s6  }
0x9: {  	s5 =	sadd.s32 s7, s5;
	s17 =	ssub.s32 s16, s9;
	s2 =	sadd.s32 s25, s2  }
0xa: {  	s5 =	sshrl.u32 s5, $0x3;
	s30 =	sadd.s32 $0x190, s2;
	s2 =	sadd.s32 $0x4E390, s2  }
0xb: {  	s6 =	sshrl.u32 s6, $0x3;
	s0 =	sadd.s32 s5, s0;
	s5 =	smax.u32 s17, $0x1  }
0xc: {  	s2 =	sshrl.u32 s2, $0x3;
	s11 =	sadd.s32 s8, s6;
	[dreg:$0xc] =	wrdreg s5  }
0xd: {  	s2 =	sadd.s32 s2, s8;
	[dreg:$0x4] =	wrdreg s11  }
0xe: {  	s12 =	simm.s32 $0xD;
	s6 =	sadd.s32 $0x9C40, s11;
	[dreg:$0x10] =	wrdreg s2  }
0xf: {  	s14 =	simm.s32 $0x0;
	s18 =	sadd.s32 $0xA, s11;
	[dreg:$0x5] =	wrdreg s6  }
0x10: {  	s24 =	ssub.s32 $0x8C, s10;
	s19 =	sadd.s32 $0x9C4A, s11;
	[dreg:$0x6] =	wrdreg s18  }
0x11: {  	s26 =	smul.u32 $0xA000, s10;
	s20 =	sadd.s32 $0x14, s11;
	[dreg:$0x7] =	wrdreg s19  }
0x12: {  	s13 =	sshrl.u32 s24, $0x4;
	s21 =	sadd.s32 $0x9C54, s11;
	[dreg:$0x8] =	wrdreg s20  }
0x13: {  	s7 =	simm.s32 $0x1B880;
	s22 =	sadd.s32 $0x1E, s11;
	[dreg:$0x9] =	wrdreg s21  }
0x14: {  	s31 =	sshrl.u32 s30, $0x3;
	s23 =	sadd.s32 $0x9C5E, s11;
	[dreg:$0xa] =	wrdreg s22  }
0x15: {  	s5 =	sshrl.u32 s26, $0x2;
	s28 =	sadd.s32 $0x28, s11;
	[dreg:$0xb] =	wrdreg s23  }
0x16: {  	s29 =	sadd.s32 $0x9C68, s11;
	s17 =	sadd.s32 s5, s3;
	[dreg:$0xd] =	wrdreg s28  }
0x17: {  	s5 =	sadd.s32 s31, s8;
	s8 =	simm.s32 $0xE;
	[dreg:$0xe] =	wrdreg s29  }
0x18: {  	[dreg:$0xf] =	wrdreg s5;
	s20 =	sadd.s32 $0x15A00, s0;
	s6 =	simm.s32 $0x13C80  }
0x19: {  	v0 =	vimm.f32 $0.0e+00;
	s18 =	simm.s32 $0x13A00;
	s0 =	simm.s32 $0x50;
	s19 =	simm.s32 $0x14080  }
.LBB2_1:
0x1a: {  	s15 =	simm.s32 $0x1BA70  }
0x1b: {  	[tilespmem:s15+$0xFFFFFE10] =	vst v0  }
0x1c: {  	[tilespmem:s15+$0x0] =	vst v0  }
0x1d: {  	[tilespmem:s15+$0xFFFFFFF0] =	vst v0  }
0x1e: {  	[tilespmem:s15+$0xFFFFFFE0] =	vst v0  }
0x1f: {  	[tilespmem:s15+$0xFFFFFFD0] =	vst v0  }
0x20: {  	[tilespmem:s15+$0xFFFFFFC0] =	vst v0  }
0x21: {  	[tilespmem:s15+$0xFFFFFFB0] =	vst v0  }
0x22: {  	[tilespmem:s15+$0xFFFFFFA0] =	vst v0  }
0x23: {  	[tilespmem:s15+$0xFFFFFF90] =	vst v0  }
0x24: {  	[tilespmem:s15+$0xFFFFFF80] =	vst v0  }
0x25: {  	[tilespmem:s15+$0xFFFFFF70] =	vst v0  }
0x26: {  	[tilespmem:s15+$0xFFFFFF60] =	vst v0  }
0x27: {  	[tilespmem:s15+$0xFFFFFF50] =	vst v0  }
0x28: {  	[tilespmem:s15+$0xFFFFFF40] =	vst v0  }
0x29: {  	[tilespmem:s15+$0xFFFFFF30] =	vst v0  }
0x2a: {  	[tilespmem:s15+$0xFFFFFF20] =	vst v0  }
0x2b: {  	[tilespmem:s15+$0xFFFFFF10] =	vst v0  }
0x2c: {  	[tilespmem:s15+$0xFFFFFF00] =	vst v0  }
0x2d: {  	[tilespmem:s15+$0xFFFFFEF0] =	vst v0  }
0x2e: {  	[tilespmem:s15+$0xFFFFFEE0] =	vst v0  }
0x2f: {  	[tilespmem:s15+$0xFFFFFED0] =	vst v0  }
0x30: {  	[tilespmem:s15+$0xFFFFFEC0] =	vst v0  }
0x31: {  	[tilespmem:s15+$0xFFFFFEB0] =	vst v0  }
0x32: {  	[tilespmem:s15+$0xFFFFFEA0] =	vst v0  }
0x33: {  	[tilespmem:s15+$0xFFFFFE90] =	vst v0  }
0x34: {  	[tilespmem:s15+$0xFFFFFE80] =	vst v0  }
0x35: {  	[tilespmem:s15+$0xFFFFFE70] =	vst v0  }
0x36: {  	[tilespmem:s15+$0xFFFFFE60] =	vst v0  }
0x37: {  	[tilespmem:s15+$0xFFFFFE50] =	vst v0  }
0x38: {  	[tilespmem:s15+$0xFFFFFE40] =	vst v0  }
0x39: {  	s16 =	simm.s32 $0x0;
	[tilespmem:s15+$0xFFFFFE30] =	vst v0  }
.LBB2_2:
0x3a: {  	s16 =	sadd.s32 $0x4, s16;
	[tilespmem:s15+$0xFFFFFE20] =	vst v0;
	s15 =	sadd.s32 $0x200, s15  }
0x3b: {  	[tilespmem:s15+$0xFFFFFE10] =	vst v0;
	p0 =	slt.u32 s16, $0x4C  }
0x3c: {  	[tilespmem:s15+$0x0] =	vst v0  }
0x3d: {  	[tilespmem:s15+$0xFFFFFFF0] =	vst v0  }
0x3e: {  	[tilespmem:s15+$0xFFFFFFE0] =	vst v0  }
0x3f: {  	[tilespmem:s15+$0xFFFFFFD0] =	vst v0  }
0x40: {  	[tilespmem:s15+$0xFFFFFFC0] =	vst v0  }
0x41: {  	[tilespmem:s15+$0xFFFFFFB0] =	vst v0  }
0x42: {  	[tilespmem:s15+$0xFFFFFFA0] =	vst v0  }
0x43: {  	[tilespmem:s15+$0xFFFFFF90] =	vst v0  }
0x44: {  	[tilespmem:s15+$0xFFFFFF80] =	vst v0  }
0x45: {  	[tilespmem:s15+$0xFFFFFF70] =	vst v0  }
0x46: {  	[tilespmem:s15+$0xFFFFFF60] =	vst v0  }
0x47: {  	[tilespmem:s15+$0xFFFFFF50] =	vst v0  }
0x48: {  	[tilespmem:s15+$0xFFFFFF40] =	vst v0  }
0x49: {  	[tilespmem:s15+$0xFFFFFF30] =	vst v0  }
0x4a: {  	[tilespmem:s15+$0xFFFFFF20] =	vst v0  }
0x4b: {  	[tilespmem:s15+$0xFFFFFF10] =	vst v0  }
0x4c: {  	[tilespmem:s15+$0xFFFFFF00] =	vst v0  }
0x4d: {  	[tilespmem:s15+$0xFFFFFEF0] =	vst v0  }
0x4e: {  	[tilespmem:s15+$0xFFFFFEE0] =	vst v0  }
0x4f: {  	[tilespmem:s15+$0xFFFFFED0] =	vst v0  }
0x50: {  	[tilespmem:s15+$0xFFFFFEC0] =	vst v0  }
0x51: {  	[tilespmem:s15+$0xFFFFFEB0] =	vst v0  }
0x52: {  	[tilespmem:s15+$0xFFFFFEA0] =	vst v0  }
0x53: {  	[tilespmem:s15+$0xFFFFFE90] =	vst v0  }
0x54: {  	[tilespmem:s15+$0xFFFFFE80] =	vst v0  }
.Ltmp0:
0x55: {  	[tilespmem:s15+$0xFFFFFE70] =	vst v0;
	(pc) =	sbr.rel @p0 .LBB2_2-.Ltmp0, $4  }
0x56: {  	[tilespmem:s15+$0xFFFFFE60] =	vst v0  }
0x57: {  	[tilespmem:s15+$0xFFFFFE50] =	vst v0  }
0x58: {  	[tilespmem:s15+$0xFFFFFE40] =	vst v0  }
0x59: {  	[tilespmem:s15+$0xFFFFFE30] =	vst v0  }
0x5a: {  	[tilespmem:s15+$0xFFFFFE20] =	vst v0;
	s2 =	rddreg [dreg:$0x4];
	s5 =	simm.s32 $0x13880  }
0x5b: {  	[tilespmem:s5], [sflag:$0x5] =	stream.linear.gather [hbm4b:s2+s4], $0x50, $0x38;
	[tilespmem:$0x1E080] =	vst v63  }
0x5c: {  	s29 =	rddreg [dreg:$0x5]  }
0x5d: {  	[tilespmem:s6], [sflag:$0x9] =	stream.linear.gather [hbm4b:s29+s4], $0x50, $0x38;
	[tilespmem:$0x1E080] =	vst v63  }
0x5e: {  	s30 =	rddreg [dreg:$0x6];
	s9 =	simm.s32 $0x13900  }
0x5f: {  	[tilespmem:s9], [sflag:$0x6] =	stream.linear.gather [hbm4b:s30+s4], $0x50, $0x38;
	[tilespmem:$0x1E080] =	vst v63  }
0x60: {  	s31 =	rddreg [dreg:$0x7];
	s10 =	simm.s32 $0x13D00  }
0x61: {  	[tilespmem:s10], [sflag:$0xA] =	stream.linear.gather [hbm4b:s31+s4], $0x50, $0x38;
	[tilespmem:$0x1E080] =	vst v63  }
0x62: {  	s11 =	rddreg [dreg:$0x8];
	s10 =	simm.s32 $0x13980  }
0x63: {  	[tilespmem:s10], [sflag:$0x7] =	stream.linear.gather [hbm4b:s11+s4], $0x50, $0x38;
	[tilespmem:$0x1E080] =	vst v63  }
0x64: {  	s15 =	rddreg [dreg:$0x9];
	s11 =	simm.s32 $0x13D80  }
0x65: {  	[tilespmem:s11], [sflag:$0xB] =	stream.linear.gather [hbm4b:s15+s4], $0x50, $0x38;
	[tilespmem:$0x1E080] =	vst v63  }
0x66: {  	s16 =	rddreg [dreg:$0xa]  }
0x67: {  	[tilespmem:s18], [sflag:$0x8] =	stream.linear.gather [hbm4b:s16+s4], $0x50, $0x38;
	[tilespmem:$0x1E080] =	vst v63  }
0x68: {  	s21 =	rddreg [dreg:$0xb];
	s22 =	simm.s32 $0x13E00;
	s23 =	simm.s32 $0x5  }
0x69: {  	[tilespmem:s22], [sflag:$0xC] =	stream.linear.gather [hbm4b:s21+s4], $0x50, $0x38;
	[tilespmem:$0x1E080] =	vst v63  }
0x6a: {  	_ =	swait.ge [sflag:s23], $0x50  }
0x6b: {  	[sflag:s23] =	ssyncset.done $0x0  }
0x6c: {  	s24 =	simm.s32 $0x9;
	[sflag:s23] =	ssyncadd.s32 $0xFFFFFFB0  }
0x6d: {  	_ =	swait.ge [sflag:s24], $0x50  }
0x6e: {  	[sflag:s24] =	ssyncset.done $0x0  }
0x6f: {  	s25 =	simm.s32 $0x6;
	[sflag:s24] =	ssyncadd.s32 $0xFFFFFFB0  }
0x70: {  	[tilespmem:s19], [sflag:$0x1] =	stream.indirect.gather [hbm4b:s1+s0], $0x80, s5, s0, $0xb8;
	[tilespmem:$0x1E080] =	vst v63  }
0x71: {  	_ =	swait.ge [sflag:s25], $0x50  }
0x72: {  	[sflag:s25] =	ssyncset.done $0x0  }
0x73: {  	s26 =	simm.s32 $0xA;
	[sflag:s25] =	ssyncadd.s32 $0xFFFFFFB0  }
0x74: {  	_ =	swait.ge [sflag:s26], $0x50  }
0x75: {  	[sflag:s26] =	ssyncset.done $0x0  }
0x76: {  	s28 =	simm.s32 $0x16880;
	s29 =	simm.s32 $0x7;
	[sflag:s26] =	ssyncadd.s32 $0xFFFFFFB0  }
0x77: {  	[tilespmem:s28], [sflag:$0x2] =	stream.indirect.gather [hbm4b:s1+s0], $0x80, s9, s0, $0xb8;
	[tilespmem:$0x1E080] =	vst v63  }
0x78: {  	_ =	swait.ge [sflag:s29], $0x50  }
0x79: {  	[sflag:s29] =	ssyncset.done $0x0  }
0x7a: {  	s30 =	simm.s32 $0xB;
	[sflag:s29] =	ssyncadd.s32 $0xFFFFFFB0  }
0x7b: {  	_ =	swait.ge [sflag:s30], $0x50  }
0x7c: {  	[sflag:s30] =	ssyncset.done $0x0  }
0x7d: {  	p0 =	sne.s32 s13, $0x1;
	s31 =	simm.s32 $0x19080;
	[sflag:s30] =	ssyncadd.s32 $0xFFFFFFB0  }
0x7e: {  	[tilespmem:s31], [sflag:$0x3] =	stream.indirect.gather [hbm4b:s1+s0], $0x80, s10, s0, $0xb8;
	[tilespmem:$0x1E080] =	vst v63  }
.Ltmp1:
0x7f: {  	_ = 	snop;
	(pc) =	sbr.rel @!p0 .LBB2_5-.Ltmp1, $4  }
0x80: {  	_ = 	snop  }
0x81: {  	[spmem:s17] =	stream.linear.scatter [tilespmem:s7], [sflag:$0xE], $0x2800, $0x38;
	[tilespmem:$0x1E080] =	vst v63  }
0x82: {  	_ =	swait.ge [sflag:s8], $0x2800  }
0x83: {  	s2 =	sadd.s32 $0xFFFFFFFF, s13;
	s5 =	smov.u32 s17;
	[sflag:s8] =	ssyncset.done $0x0  }
.LBB2_4:
0x84: {  	p1 =	sne.s32 s2, $0x1;
	[sflag:s8] =	ssyncadd.s32 $0xFFFFD800;
	s5 =	sadd.s32 $0x28000, s5  }
.Ltmp2:
0x85: {  	s2 =	sadd.s32 $0xFFFFFFFF, s2;
	(pc) =	sbr.rel @p1 .LBB2_4-.Ltmp2, $4  }
0x86: {  	_ = 	snop  }
0x87: {  	[spmem:s5] =	stream.linear.scatter [tilespmem:s7], [sflag:$0xE], $0x2800, $0x38;
	[tilespmem:$0x1E080] =	vst v63  }
0x88: {  	_ =	swait.ge [sflag:s8], $0x2800  }
0x89: {  	[sflag:s8] =	ssyncset.done $0x0  }
.LBB2_5:
0x8a: {  	[sflag:s8] =	ssyncadd.s32 $0xFFFFD800  }
0x8b: {  	s2 =	simm.s32 $0x1;
	[bflag:$0x0] =	sbarrier.arrive $0xFFFF  }
0x8c: {  	_ =	swait.ge [sflag:s2], $0x2800  }
0x8d: {  	[sflag:s2] =	ssyncset.done $0x0  }
0x8e: {  	s15 =	simm.s32 $0x8;
	[sflag:s2] =	ssyncadd.s32 $0xFFFFD800  }
0x8f: {  	_ =	swait.ge [sflag:s15], $0x50  }
0x90: {  	[sflag:s15] =	ssyncset.done $0x0  }
0x91: {  	s16 =	simm.s32 $0xC;
	[sflag:s15] =	ssyncadd.s32 $0xFFFFFFB0  }
0x92: {  	_ =	swait.ge [sflag:s16], $0x50  }
0x93: {  	[sflag:s16] =	ssyncset.done $0x0  }
0x94: {  	s5 =	simm.s32 $0x13A80;
	[sflag:s16] =	ssyncadd.s32 $0xFFFFFFB0  }
0x95: {  	[tilespmem:s7], [sflag:$0x4] =	stream.indirect.gather [hbm4b:s1+s0], $0x80, s18, s0, $0xb8;
	[tilespmem:$0x1E080] =	vst v63  }
0x96: {  	s22 =	simm.s32 $0x13E80;
	s23 =	simm.s32 $0x1;
	s18 =	rddreg [dreg:$0xd]  }
0x97: {  	[tilespmem:s5], [sflag:$0x5] =	stream.linear.gather [hbm4b:s18+s4], $0x50, $0x38;
	[tilespmem:$0x1E080] =	vst v63  }
0x98: {  	s9 =	simm.s32 $0x4;
	s21 =	rddreg [dreg:$0xe];
	s5 =	sand.u32 $0x3, s23  }
0x99: {  	[tilespmem:s22], [sflag:$0x9] =	stream.linear.gather [hbm4b:s21+s4], $0x50, $0x38;
	[tilespmem:$0x1E080] =	vst v63  }
0x9a: {  	s25 =	simm.s32 $0x5;
	p1 =	por $0x0, $0x0;
	s24 =	sadd.s32 $0x1, s5  }
0x9b: {  	[spmem:s3] =	stream.indirect.scatter.add.f32 [tilespmem:s19], [sflag:$0xD], $0x80, s6, s0, $0xb8;
	[tilespmem:$0x1E080] =	vst v63  }
0x9c: {  	s31 =	simm.s32 $0x80;
	p2 =	por @!p1 $0x0, $0x0;
	_ =	swait.ge [sflag:s24], $0x2800  }
0x9d: {  	p2 =	por p2, p1;
	s2 =	simm.s32 $0x280;
	[sflag:s24] =	ssyncset.done $0x0  }
0x9e: {  	s29 =	simm.s32 @!p2 $0x0;
	s2 =	sand.u32 @!p2 $0x380, s2;
	[sflag:s24] =	ssyncadd.s32 $0xFFFFD800  }
0x9f: {  	s15 =	simm.s32 $0x300;
	s26 =	smul.u32 $0xA000, s5;
	_ =	swait.ge [sflag:s12], $0x2800  }
0xa0: {  	s16 =	simm.s32 $0x2;
	s6 =	sand.u32 @!p1 $0x3, s9;
	[sflag:s12] =	ssyncset.done $0x0  }
0xa1: {  	s30 =	sshrl.u32 s26, $0x2;
	s19 =	sadd.s32 @!p1 $0x5, s6;
	[sflag:s12] =	ssyncadd.s32 $0xFFFFD800  }
0xa2: {  	s22 =	simm.s32 $0x380;
	s28 =	sadd.s32 $0x14080, s30;
	_ =	swait.ge @!p1 [sflag:s19], $0x50  }
0xa3: {  	s9 =	simm.s32 @!p1 $0x200;
	s21 =	smul.u32 @!p1 $0xA000, s6;
	[sflag:s19] =	ssyncset.done @!p1 $0x0  }
0xa4: {  	s9 =	sand.u32 @!p1 $0x380, s9;
	s23 =	sadd.s32 @!p1 $0x9, s6;
	[sflag:s19] =	ssyncadd.s32 @!p1 $0xFFFFFFB0  }
0xa5: {  	s6 =	sadd.s32 @!p1 $0x1, s6;
	s9 =	sadd.s32 @!p1 $0x13880, s9;
	_ =	swait.ge @!p1 [sflag:s23], $0x50  }
0xa6: {  	s21 =	sshrl.u32 @!p1 s21, $0x2;
	s24 =	simm.s32 $0x5;
	[sflag:s23] =	ssyncset.done @!p1 $0x0  }
0xa7: {  	s19 =	sadd.s32 @!p1 $0x14080, s21;
	s21 =	simm.s32 @!p1 $0x50;
	[sflag:s23] =	ssyncadd.s32 @!p1 $0xFFFFFFB0  }
0xa8: {  	[tilespmem:s19], [sflag:s6] =	stream.indirect.gather @!p1 [hbm4b:s1+s21], $0x80, s9, s21, $0xb8;
	[tilespmem:$0x1E080] =	vst v63  }
0xa9: {  	s10 =	rddreg [dreg:$0xf];
	s23 =	sadd.s32 @!p2 $0x5, s5;
	s6 =	sadd.s32 @!p2 $0x13880, s2  }
0xaa: {  	s2 =	sadd.s32 @!p2 $0x13C80, s2;
	s9 =	sadd.s32 @!p2 $0x9, s5;
	s19 =	rddreg [dreg:$0x10]  }
0xab: {  	[tilespmem:s6], [sflag:s23] =	stream.linear.gather @!p2 [hbm4b:s10+s29], $0x50, $0x38;
	[tilespmem:$0x1E080] =	vst v63  }
0xac: {  	s21 =	sadd.s32 $0xA, s19;
	s6 =	sand.u32 $0x380, s31;
	s23 =	sadd.s32 $0xA, s10  }
.LBB2_6:
0xad: {  	s31 =	sand.u32 $0x3, s16;
	s25 =	sadd.s32 $0x1, s25  }
0xae: {  	s30 =	smov.u32 s22;
	s22 =	sadd.s32 $0x80, s22;
	s5 =	smov.u32 s23  }
0xaf: {  	[tilespmem:s2], [sflag:s9] =	stream.linear.gather @!p2 [hbm4b:s19+s29], $0x50, $0x38;
	[tilespmem:$0x1E080] =	vst v63  }
0xb0: {  	s6 =	sadd.s32 $0x13C80, s6;
	s2 =	sadd.s32 $0x1, s31;
	s9 =	smul.u32 $0xA000, s31  }
0xb1: {  	[spmem:s3] =	stream.indirect.scatter.add.f32 [tilespmem:s28], [sflag:$0xD], $0x80, s6, s0, $0xb8;
	[tilespmem:$0x1E080] =	vst v63  }
0xb2: {  	s6 =	sadd.s32 $0xFFFFFFFD, s25;
	s9 =	sshrl.u32 s9, $0x2;
	_ =	swait.ge [sflag:s2], $0x2800  }
0xb3: {  	p1 =	sne.s32 s22, $0x4080;
	s28 =	sadd.s32 $0x14080, s9;
	[sflag:s2] =	ssyncset.done $0x0  }
0xb4: {  	p3 =	sgt.u32 s16, $0x79;
	s16 =	smov.u32 s6;
	[sflag:s2] =	ssyncadd.s32 $0xFFFFD800  }
0xb5: {  	s6 =	sadd.s32 @!p3 $0xFFFFFF80, s15;
	s2 =	sand.u32 @!p3 $0x3, s24;
	_ =	swait.ge [sflag:s12], $0x2800  }
0xb6: {  	s9 =	sadd.s32 @!p3 $0x5, s2;
	s19 =	smul.u32 @!p3 $0xA000, s2;
	[sflag:s12] =	ssyncset.done $0x0  }
0xb7: {  	p2 =	seq.s32 @!p3 s15, $0x3E80;
	s6 =	sand.u32 @!p3 $0x380, s6;
	[sflag:s12] =	ssyncadd.s32 $0xFFFFD800  }
0xb8: {  	s6 =	sadd.s32 @!p3 $0x13880, s6;
	s19 =	sshrl.u32 @!p3 s19, $0x2;
	_ =	swait.ge @!p3 [sflag:s9], $0x50  }
0xb9: {  	s29 =	sadd.s32 @!p3 $0x9, s2;
	s10 =	sadd.s32 @!p3 $0x14080, s19;
	[sflag:s9] =	ssyncset.done @!p3 $0x0  }
0xba: {  	s24 =	smov.u32 s25;
	[sflag:s9] =	ssyncadd.s32 @!p3 $0xFFFFFFB0;
	s9 =	sadd.s32 @!p3 $0x1, s2  }
0xbb: {  	p2 =	por p2, p3;
	s19 =	smov.u32 s21;
	_ =	swait.ge @!p3 [sflag:s29], $0x50  }
0xbc: {  	s11 =	simm.s32 @!p3 $0x50;
	s2 =	sand.u32 @!p2 $0x380, s15;
	[sflag:s29] =	ssyncset.done @!p3 $0x0  }
0xbd: {  	s18 =	sadd.s32 @!p2 $0x5, s31;
	s26 =	sadd.s32 @!p2 $0x13880, s2;
	[sflag:s29] =	ssyncadd.s32 @!p3 $0xFFFFFFB0  }
.Ltmp3:
0xbe: {  	s2 =	sadd.s32 @!p2 $0x13C80, s2;
	s29 =	simm.s32 @!p2 $0x0;
	(pc) =	sbr.rel @p1 .LBB2_6-.Ltmp3, $4  }
0xbf: {  	[tilespmem:s10], [sflag:s9] =	stream.indirect.gather @!p3 [hbm4b:s1+s11], $0x80, s6, s11, $0xb8;
	[tilespmem:$0x1E080] =	vst v63  }
0xc0: {  	s9 =	sadd.s32 @!p2 $0x9, s31;
	s6 =	sadd.s32 $0xFFFFFE00, s15;
	s15 =	smov.u32 s30  }
0xc1: {  	s23 =	sadd.s32 $0xA, s23;
	s21 =	sadd.s32 $0xA, s21;
	s6 =	sand.u32 $0x380, s6  }
0xc2: {  	[tilespmem:s26], [sflag:s18] =	stream.linear.gather @!p2 [hbm4b:s5+s29], $0x50, $0x38;
	[tilespmem:$0x1E080] =	vst v63  }
0xc3: {  	s5 =	sand.u32 $0x3, s16  }
0xc4: {  	[tilespmem:s2], [sflag:s9] =	stream.linear.gather @!p2 [hbm4b:s19+s29], $0x50, $0x38;
	[tilespmem:$0x1E080] =	vst v63  }
0xc5: {  	s6 =	sadd.s32 $0x13C80, s6;
	s22 =	sadd.s32 $0x1, s5  }
0xc6: {  	[spmem:s3] =	stream.indirect.scatter.add.f32 [tilespmem:s28], [sflag:$0xD], $0x80, s6, s0, $0xb8;
	[tilespmem:$0x1E080] =	vst v63  }
0xc7: {  	_ =	swait.ge [sflag:s22], $0x2800  }
0xc8: {  	[sflag:s22] =	ssyncset.done $0x0  }
0xc9: {  	[sflag:s22] =	ssyncadd.s32 $0xFFFFD800  }
0xca: {  	p1 =	sgt.u32 s16, $0x79;
	s25 =	smul.u32 $0xA000, s5;
	_ =	swait.ge [sflag:s12], $0x2800  }
0xcb: {  	s9 =	sadd.s32 @!p1 $0xFFFFFF80, s15;
	s6 =	sand.u32 @!p1 $0x3, s24;
	[sflag:s12] =	ssyncset.done $0x0  }
0xcc: {  	p2 =	seq.s32 @!p1 s15, $0x3E80;
	s10 =	sadd.s32 @!p1 $0x5, s6;
	[sflag:s12] =	ssyncadd.s32 $0xFFFFD800  }
0xcd: {  	s9 =	sand.u32 @!p1 $0x380, s9;
	p2 =	por p2, p1;
	_ =	swait.ge @!p1 [sflag:s10], $0x50  }
0xce: {  	s28 =	sadd.s32 $0xFFFFFE00, s15;
	s11 =	smul.u32 @!p1 $0xA000, s6;
	[sflag:s10] =	ssyncset.done @!p1 $0x0  }
0xcf: {  	s26 =	sshrl.u32 s25, $0x2;
	s16 =	sadd.s32 @!p1 $0x9, s6;
	[sflag:s10] =	ssyncadd.s32 @!p1 $0xFFFFFFB0  }
0xd0: {  	s9 =	sadd.s32 @!p1 $0x13880, s9;
	s11 =	sshrl.u32 @!p1 s11, $0x2;
	_ =	swait.ge @!p1 [sflag:s16], $0x50  }
0xd1: {  	s6 =	sadd.s32 @!p1 $0x1, s6;
	s10 =	sadd.s32 @!p1 $0x14080, s11;
	[sflag:s16] =	ssyncset.done @!p1 $0x0  }
0xd2: {  	s11 =	simm.s32 @!p1 $0x50;
	[sflag:s16] =	ssyncadd.s32 @!p1 $0xFFFFFFB0;
	s16 =	sand.u32 @!p2 $0x380, s15  }
0xd3: {  	[tilespmem:s10], [sflag:s6] =	stream.indirect.gather @!p1 [hbm4b:s1+s11], $0x80, s9, s11, $0xb8;
	[tilespmem:$0x1E080] =	vst v63  }
0xd4: {  	s18 =	sadd.s32 @!p2 $0x5, s5;
	s6 =	sadd.s32 @!p2 $0x13880, s16;
	s9 =	simm.s32 @!p2 $0x0  }
0xd5: {  	[tilespmem:s6], [sflag:s18] =	stream.linear.gather @!p2 [hbm4b:s23+s9], $0x50, $0x38;
	[tilespmem:$0x1E080] =	vst v63  }
0xd6: {  	s5 =	sadd.s32 @!p2 $0x9, s5;
	s10 =	sand.u32 $0x380, s28;
	s6 =	sadd.s32 @!p2 $0x13C80, s16  }
0xd7: {  	[tilespmem:s6], [sflag:s5] =	stream.linear.gather @!p2 [hbm4b:s21+s9], $0x50, $0x38;
	[tilespmem:$0x1E080] =	vst v63  }
0xd8: {  	s2 =	sadd.s32 $0x14080, s26;
	s29 =	sadd.s32 $0x13C80, s10  }
0xd9: {  	[spmem:s3] =	stream.indirect.scatter.add.f32 [tilespmem:s2], [sflag:$0xD], $0x80, s29, s0, $0xb8;
	[tilespmem:$0x1E080] =	vst v63  }
.Ltmp4:
0xda: {  	s30 =	stileid.u32;
	_ =	swait.ge [sflag:s12], $0x2800;
	(pc) =	sbr.rel @!p0 .LBB2_9-.Ltmp4, $4  }
0xdb: {  	s31 =	sshrl.u32 s17, $0x3;
	s5 =	sadd.s32 $0xFFFFFFFF, s13;
	[sflag:s12] =	ssyncset.done $0x0  }
0xdc: {  	s6 =	sadd.s32 $0x28000, s17;
	s2 =	sshll.u32 s30, $0x6;
	[sflag:s12] =	ssyncadd.s32 $0xFFFFD800  }
0xdd: {  	s9 =	smov.u32 s20;
	s2 =	sor.u32 $0x1C0D, s2;
	[bflag:$0x0] =	sbarrier.arrive $0xFFFF  }
0xde: {  	[hbm:s20], [sflag:s2] =	dma.local [spmem:s31], $0x500  }
.LBB2_8:
0xdf: {  	p1 =	sne.s32 s5, $0x1;
	s5 =	sadd.s32 $0xFFFFFFFF, s5  }
.Ltmp5:
0xe0: {  	s10 =	sshrl.u32 s6, $0x3;
	s9 =	sadd.s32 $0x5000, s9;
	(pc) =	sbr.rel @p1 .LBB2_8-.Ltmp5, $3  }
0xe1: {  	[hbm:s9], [sflag:s2] =	dma.local [spmem:s10], $0x500  }
0xe2: {  	_ =	sdelay $0x1  }
0xe3: {  	s6 =	sadd.s32 $0x28000, s6  }
.LBB2_9:
.Ltmp6:
0xe4: {  	(pc) =	sbr.rel @!p0 .LBB2_11-.Ltmp6, $3  }
0xe5: {  	_ =	sdelay $0x1  }
0xe6: {  	_ =	swait.ge [sflag:s12], $0x500  }
0xe7: {  	s2 =	sadd.s32 $0xFFFFFFFF, s13;
	s19 =	simm.s32 $0x14080;
	[sflag:s12] =	ssyncset.done $0x0  }
.LBB2_10:
0xe8: {  	p0 =	sne.s32 s2, $0x1;
	s2 =	sadd.s32 $0xFFFFFFFF, s2;
	[sflag:s12] =	ssyncadd.s32 $0xFFFFFB00  }
.Ltmp7:
0xe9: {  	(pc) =	sbr.rel @p0 .LBB2_10-.Ltmp7, $3  }
0xea: {  	_ =	sdelay $0x1  }
0xeb: {  	_ =	swait.ge [sflag:s12], $0x500  }
0xec: {  	[sflag:s12] =	ssyncset.done $0x0  }
.LBB2_11:
0xed: {  	s14 =	sadd.s32 $0x1, s14;
	s2 =	rddreg [dreg:$0xc]  }
0xee: {  	p0 =	sne.s32 s14, s2  }
.Ltmp8:
0xef: {  	_ = 	snop;
	(pc) =	sbr.rel @p0 .LBB2_1-.Ltmp8, $2  }
0xf0: {  	_ =	sdelay $0x2  }
0xf1: {  	[sflag:s12] =	ssyncadd.s32 $0xFFFFFB00;
	s6 =	simm.s32 $0x13C80;
	s18 =	simm.s32 $0x13A00  }
0xf2: {  	_ =	sfence.sel $0x180000  }
0xf3: {  	[bflag:$0x0] =	sbarrier.arrive $0xFFFF  }
0xf4: {  	_ =	strace $0x9000004A  }
0xf5: {  	s0 =	stileid.u32;
	[bflag:$0x2] =	sbarrier.arrive $0xFFFF  }
0xf6: {  	p0 =	sne.s32 s0, $0x0;
	s0 =	rddreg [dreg:$0x3]  }
0xf7: {  	s0 =	sadd.s32 @!p0 $0x100000, s0  }
0xf8: {  	[sflag:s0] =	ssyncadd.tile.s32 @!p0 $0x1;
	_ =	shalt  }
.Lfunc_end2:
_tile_overlayer_lowered:
.L_overlay_start_2:
0xf9: {  	(tag) =	ssettag $0x2  }
0xfa: {  	s0 =	rddreg [dreg:$0x0];
	s2 =	stileid.u32  }
0xfb: {  	s1 =	rddreg [dreg:$0x1];
	p0 =	sne.s32 s2, $0x0  }
0xfc: {  	s3 =	rddreg [dreg:$0x2];
	[bflag:$0x3] =	sbarrier.arrive $0xFFFF;
	s2 =	simm.s32 @!p0 $0x1C0E  }
0xfd: {  	[timem:s3], [sflag:s2] =	dma.local @!p0 [hbm:s0], s1  }
0xfe: {  	s0 =	simm.s32 @!p0 $0xE  }
0xff: {  	_ =	swait.ge @!p0 [sflag:s0], s1  }
0x100: {  	s1 =	ssub.s32 @!p0 $0x0, s1;
	[sflag:s0] =	ssyncset.done @!p0 $0x0  }
0x101: {  	[sflag:s0] =	ssyncadd.s32 @!p0 s1  }
0x102: {  	[bflag:$0x3] =	sbarrier.arrive $0xFFFF  }
0x103: {  	_ =	shalt  }

</sc_bundles>
